<compile_context>
chip_gen: v7x
topology: tpu7x:2x2x1
jax: 0.10.2.dev20260603
libtpu: 0.0.44.dev20260713+nightly
codegen_flags: <defaults>
</compile_context>

<pallas_src>
import functools

import jax
import jax.numpy as jnp
from jax import lax
from jax.experimental import pallas as pl
from jax.experimental.pallas import tpu as pltpu
from jax.experimental.pallas import tpu_sc as plsc

_MIN_AGE = 40
_MAX_AGE = 80
_AGE_WINDOW = 5
_NUM_STRATA = 2 * ((_MAX_AGE - _MIN_AGE) // _AGE_WINDOW)
_NUM_AGE_GROUPS = _NUM_STRATA // 2
_NUM_COLS = _NUM_STRATA + 1
_NUM_CONCEPTS = 100000

_B, _L, _D = 1024, 200, 128
_N = _B * _L

_NC, _NS = 2, 16
_NW = _NC * _NS
_PER_W = _N // _NW
_LANES = 16

_sc_mesh = plsc.VectorSubcoreMesh(core_axis_name="c", subcore_axis_name="s")


_Q = _PER_W // 4
_NCH = 4
_WIN_PER_CH = _Q // _LANES


@functools.partial(
    pl.kernel,
    mesh=_sc_mesh,
    out_type=jax.ShapeDtypeStruct((_N,), jnp.float32),
    scratch_types=[
        pltpu.VMEM((_PER_W,), jnp.int32),
        pltpu.VMEM((_PER_W,), jnp.int32),
        pltpu.VMEM((_PER_W,), jnp.int32),
        pltpu.VMEM((_PER_W,), jnp.int32),
        pltpu.VMEM((_PER_W,), jnp.float32),
        pltpu.SemaphoreType.DMA,
        pltpu.SemaphoreType.DMA((_NCH,)),
    ],
)
def _sc_gather(concept_hbm, age_hbm, gender_hbm, sig_hbm, sel_hbm,
               c_v, a_v, g_v, idx_v, s_v, isem, gsem):
    wid = lax.axis_index("s") * _NC + lax.axis_index("c")
    base = wid * _PER_W

    for ref, hbm in ((c_v, concept_hbm), (a_v, age_hbm), (g_v, gender_hbm)):
        pltpu.make_async_copy(
            hbm.at[pl.ds(base, _PER_W)], ref, isem
        ).start()
    for ref, hbm in ((c_v, concept_hbm), (a_v, age_hbm), (g_v, gender_hbm)):
        pltpu.make_async_copy(
            hbm.at[pl.ds(base, _PER_W)], ref, isem
        ).wait()

    def index_chunk(k):
        def body(j, carry):
            t0 = k * _Q + j * _LANES
            a = a_v[pl.ds(t0, _LANES)]
            g = g_v[pl.ds(t0, _LANES)]
            c = c_v[pl.ds(t0, _LANES)]
            strat = lax.div(a - _MIN_AGE, _AGE_WINDOW) + _NUM_AGE_GROUPS * g
            ok = (a >= _MIN_AGE) & (a <= _MAX_AGE)
            col = jnp.where(ok, strat, _NUM_STRATA)
            idx_v[pl.ds(t0, _LANES)] = col * _NUM_CONCEPTS + c
            return carry
        lax.fori_loop(0, _WIN_PER_CH, body, 0)

    def start_gather(k):
        pltpu.make_async_copy(
            sig_hbm.at[idx_v.at[pl.ds(k * _Q, _Q)]],
            s_v.at[pl.ds(k * _Q, _Q)], gsem.at[k]
        ).start()

    def wait_gather(k):
        pltpu.make_async_copy(
            sig_hbm.at[idx_v.at[pl.ds(k * _Q, _Q)]],
            s_v.at[pl.ds(k * _Q, _Q)], gsem.at[k]
        ).wait()

    for k in range(_NCH):
        index_chunk(k)
        start_gather(k)
    for k in range(_NCH):
        wait_gather(k)

    pltpu.sync_copy(s_v, sel_hbm.at[pl.ds(base, _PER_W)])


_C = 4096
_NB = 3
_S = _N // _C


def _tc_pipe(emb_hbm, noi_hbm, sel_hbm, out_hbm, ebuf, nbuf, sbuf, obuf,
             esem, nsem, ssem, osem):
    def start_read(i, b):
        off = i * _C
        pltpu.make_async_copy(emb_hbm.at[pl.ds(off, _C), :], ebuf.at[b], esem.at[b]).start()
        pltpu.make_async_copy(noi_hbm.at[pl.ds(off, _C), :], nbuf.at[b], nsem.at[b]).start()
        pltpu.make_async_copy(sel_hbm.at[pl.ds(off, _C)], sbuf.at[b], ssem.at[b]).start()

    def wait_read(i, b):
        off = i * _C
        pltpu.make_async_copy(emb_hbm.at[pl.ds(off, _C), :], ebuf.at[b], esem.at[b]).wait()
        pltpu.make_async_copy(noi_hbm.at[pl.ds(off, _C), :], nbuf.at[b], nsem.at[b]).wait()
        pltpu.make_async_copy(sel_hbm.at[pl.ds(off, _C)], sbuf.at[b], ssem.at[b]).wait()

    def start_write(i, b):
        off = i * _C
        pltpu.make_async_copy(obuf.at[b], out_hbm.at[pl.ds(off, _C), :], osem.at[b]).start()

    def wait_write(i, b):
        off = i * _C
        pltpu.make_async_copy(obuf.at[b], out_hbm.at[pl.ds(off, _C), :], osem.at[b]).wait()

    for b in range(_NB - 1):
        start_read(b, b)

    def step(i, carry):
        b = lax.rem(i, _NB)

        @pl.when(i + _NB - 1 < _S)
        def _():
            start_read(i + _NB - 1, lax.rem(i + _NB - 1, _NB))

        wait_read(i, b)

        @pl.when(i >= _NB)
        def _():
            wait_write(i - _NB, b)

        obuf[b] = ebuf[b] + nbuf[b] * sbuf[b][:, None]
        start_write(i, b)
        return carry

    lax.fori_loop(0, _S, step, 0)
    for k in range(_NB):
        i = _S - _NB + k
        wait_write(i, i % _NB)


@jax.jit
def kernel(concept, age, gender, embeddings, noise, sigmas):
    sel = _sc_gather(
        concept.reshape(_N), age.reshape(_N), gender.reshape(_N),
        sigmas.T.reshape(_NUM_CONCEPTS * _NUM_COLS),
    )
    emb2 = embeddings.reshape(_N, _D)
    noi2 = noise.reshape(_N, _D)
    out2 = pl.pallas_call(
        _tc_pipe,
        in_specs=[
            pl.BlockSpec(memory_space=pl.ANY),
            pl.BlockSpec(memory_space=pl.ANY),
            pl.BlockSpec(memory_space=pl.ANY),
        ],
        out_specs=pl.BlockSpec(memory_space=pl.ANY),
        out_shape=jax.ShapeDtypeStruct((_N, _D), jnp.float32),
        scratch_shapes=[
            pltpu.VMEM((_NB, _C, _D), jnp.float32),
            pltpu.VMEM((_NB, _C, _D), jnp.float32),
            pltpu.VMEM((_NB, _C), jnp.float32),
            pltpu.VMEM((_NB, _C, _D), jnp.float32),
            pltpu.SemaphoreType.DMA((_NB,)),
            pltpu.SemaphoreType.DMA((_NB,)),
            pltpu.SemaphoreType.DMA((_NB,)),
            pltpu.SemaphoreType.DMA((_NB,)),
        ],
    )(emb2, noi2, sel)
    return out2.reshape(_B, _L, _D)

# --- scband reference (transcript-rebuilt; emitter-appended) ---
"""Pipeline reference for scband-gaussian-noise-28664611733952 (READ-ONLY COPY).

The authoritative reference and input builder live on the scoring server;
editing this copy changes nothing except your own understanding.
"""

import jax, jax.numpy as jnp
import numpy as np

MIN_AGE = 40
MAX_AGE = 80
AGE_WINDOW = 5
NUM_STRATA = 2 * ((MAX_AGE - MIN_AGE) // AGE_WINDOW)  # 16
NUM_AGE_GROUPS = NUM_STRATA // 2  # 8
NUM_CONCEPTS = 100000
B, L, D = 1024, 200, 128


def setup_inputs(seed: int = 0) -> dict:
    key = jax.random.key(seed)
    k1, k2, k3, k4, k5, k6 = jax.random.split(key, 6)
    concept = jax.random.randint(k1, (B, L), 0, NUM_CONCEPTS, dtype=jnp.int64 if jax.config.jax_enable_x64 else jnp.int32).astype(jnp.int32)
    age = jax.random.randint(k2, (B, L), 0, 110).astype(jnp.int32)
    gender = jax.random.randint(k3, (B, L), 0, 2).astype(jnp.int32)
    embeddings = jax.random.normal(k4, (B, L, D), dtype=jnp.float32)
    # torch.randn_like noise externalized as an input for determinism
    noise = jax.random.normal(k5, (B, L, D), dtype=jnp.float32)
    # trainable parameter: sigmas initialized to ones, [num_concepts, num_strata+1]
    sigmas = jnp.ones((NUM_CONCEPTS, NUM_STRATA + 1), dtype=jnp.float32)
    return {"concept": concept, "age": age, "gender": gender,
            "embeddings": embeddings, "noise": noise, "sigmas": sigmas}


def reference(concept, age, gender, embeddings, noise, sigmas):
    # get_stratum_indices
    age_mask = (age >= MIN_AGE) & (age <= MAX_AGE)
    age_strata = (age - MIN_AGE) // AGE_WINDOW
    stratum_indices = age_strata + NUM_AGE_GROUPS * gender
    stratum_indices = jnp.where(age_mask, stratum_indices, -1)  # -1 wraps to last column
    # simulate_noise: sigmas[concept[...,None], indices[...,None]] -> [B, L, 1]
    sel = sigmas[concept[..., None], stratum_indices[..., None]]
    scaled_noise = noise * sel
    return embeddings + scaled_noise

if __name__ == "__main__":
    import jax
    _d = setup_inputs()
    print(jax.jit(kernel)(*tuple(_d.values())))

</pallas_src>

<mosaic_0001>
#map = affine_map<(d0, d1) -> (0)>
module attributes {stable_mosaic.version = 14 : i64} {
  func.func @_sc_gather(%arg0: i32, %arg1: i32, %arg2: memref<204800xi32, #tpu.memory_space<hbm>>, %arg3: memref<204800xi32, #tpu.memory_space<hbm>>, %arg4: memref<204800xi32, #tpu.memory_space<hbm>>, %arg5: memref<1700000xf32, #tpu.memory_space<hbm>>, %arg6: memref<204800xf32, #tpu.memory_space<hbm>>, %arg7: memref<6400xi32, #tpu.memory_space<vmem>>, %arg8: memref<6400xi32, #tpu.memory_space<vmem>>, %arg9: memref<6400xi32, #tpu.memory_space<vmem>>, %arg10: memref<6400xi32, #tpu.memory_space<vmem>>, %arg11: memref<6400xf32, #tpu.memory_space<vmem>>, %arg12: memref<!tpu.dma_semaphore, #tpu.memory_space<semaphore_mem>>, %arg13: memref<4x!tpu.dma_semaphore, #tpu.memory_space<semaphore_mem>>) attributes {dimension_semantics = [#tpu.dimension_semantics<core_parallel>, #tpu.dimension_semantics<subcore_parallel>], iteration_bounds = array<i64: 2, 16>, scalar_prefetch = 0 : i64, scratch_operands = 7 : i64, tpu.core_type = #tpu.core_type<sc_vector_subcore>, window_params = [{transform_indices = #map}, {transform_indices = #map}, {transform_indices = #map}, {transform_indices = #map}, {transform_indices = #map}]} {
    %mul3A = arith.constant 2 : i32
    %mul3A_0 = arith.muli %arg1, %mul3A : i32
    %add3A = arith.addi %mul3A_0, %arg0 : i32
    %mul3A_1 = arith.constant 6400 : i32
    %mul3A_2 = arith.muli %add3A, %mul3A_1 : i32
    %dma_start3A = tpu.memref_slice %arg2[%mul3A_2] : memref<204800xi32, #tpu.memory_space<hbm>> -> memref<6400xi32, #tpu.memory_space<hbm>>
    %dma_start3A_3 = tpu.memref_slice %arg2[%mul3A_2] : memref<204800xi32, #tpu.memory_space<hbm>> -> memref<6400xi32, #tpu.memory_space<hbm>>
    tpu.enqueue_dma source(%dma_start3A_3 : memref<6400xi32, #tpu.memory_space<hbm>>) target(%arg7 : memref<6400xi32, #tpu.memory_space<vmem>>) target_semaphore(%arg12 : memref<!tpu.dma_semaphore, #tpu.memory_space<semaphore_mem>>)
    %dma_start3A_4 = tpu.memref_slice %arg3[%mul3A_2] : memref<204800xi32, #tpu.memory_space<hbm>> -> memref<6400xi32, #tpu.memory_space<hbm>>
    %dma_start3A_5 = tpu.memref_slice %arg3[%mul3A_2] : memref<204800xi32, #tpu.memory_space<hbm>> -> memref<6400xi32, #tpu.memory_space<hbm>>
    tpu.enqueue_dma source(%dma_start3A_5 : memref<6400xi32, #tpu.memory_space<hbm>>) target(%arg8 : memref<6400xi32, #tpu.memory_space<vmem>>) target_semaphore(%arg12 : memref<!tpu.dma_semaphore, #tpu.memory_space<semaphore_mem>>)
    %dma_start3A_6 = tpu.memref_slice %arg4[%mul3A_2] : memref<204800xi32, #tpu.memory_space<hbm>> -> memref<6400xi32, #tpu.memory_space<hbm>>
    %dma_start3A_7 = tpu.memref_slice %arg4[%mul3A_2] : memref<204800xi32, #tpu.memory_space<hbm>> -> memref<6400xi32, #tpu.memory_space<hbm>>
    tpu.enqueue_dma source(%dma_start3A_7 : memref<6400xi32, #tpu.memory_space<hbm>>) target(%arg9 : memref<6400xi32, #tpu.memory_space<vmem>>) target_semaphore(%arg12 : memref<!tpu.dma_semaphore, #tpu.memory_space<semaphore_mem>>)
    %dma_wait3A = tpu.memref_slice %arg2[%mul3A_2] : memref<204800xi32, #tpu.memory_space<hbm>> -> memref<6400xi32, #tpu.memory_space<hbm>>
    %dma_wait3A_8 = tpu.memref_slice %arg2[%mul3A_2] : memref<204800xi32, #tpu.memory_space<hbm>> -> memref<6400xi32, #tpu.memory_space<hbm>>
    tpu.wait_dma2 semaphore(%arg12 : memref<!tpu.dma_semaphore, #tpu.memory_space<semaphore_mem>>) src(%dma_wait3A_8 : memref<6400xi32, #tpu.memory_space<hbm>>) dst(%arg7 : memref<6400xi32, #tpu.memory_space<vmem>>)
    %dma_wait3A_9 = tpu.memref_slice %arg3[%mul3A_2] : memref<204800xi32, #tpu.memory_space<hbm>> -> memref<6400xi32, #tpu.memory_space<hbm>>
    %dma_wait3A_10 = tpu.memref_slice %arg3[%mul3A_2] : memref<204800xi32, #tpu.memory_space<hbm>> -> memref<6400xi32, #tpu.memory_space<hbm>>
    tpu.wait_dma2 semaphore(%arg12 : memref<!tpu.dma_semaphore, #tpu.memory_space<semaphore_mem>>) src(%dma_wait3A_10 : memref<6400xi32, #tpu.memory_space<hbm>>) dst(%arg8 : memref<6400xi32, #tpu.memory_space<vmem>>)
    %dma_wait3A_11 = tpu.memref_slice %arg4[%mul3A_2] : memref<204800xi32, #tpu.memory_space<hbm>> -> memref<6400xi32, #tpu.memory_space<hbm>>
    %dma_wait3A_12 = tpu.memref_slice %arg4[%mul3A_2] : memref<204800xi32, #tpu.memory_space<hbm>> -> memref<6400xi32, #tpu.memory_space<hbm>>
    tpu.wait_dma2 semaphore(%arg12 : memref<!tpu.dma_semaphore, #tpu.memory_space<semaphore_mem>>) src(%dma_wait3A_12 : memref<6400xi32, #tpu.memory_space<hbm>>) dst(%arg9 : memref<6400xi32, #tpu.memory_space<vmem>>)
    %scan3A = arith.constant 0 : i32
    %scan3A_13 = arith.constant 0 : i32
    %scan3A_14 = arith.constant 100 : i32
    %scan3A_15 = arith.addi %scan3A_13, %scan3A_14 : i32
    %scan3A_16 = arith.constant 1 : i32
    scf.for %scan3A_108 = %scan3A_13 to %scan3A_15 step %scan3A_16  : i32 {
      %mul3A_109 = arith.constant 16 : i32
      %mul3A_110 = arith.muli %scan3A_108, %mul3A_109 : i32
      %add3A_111 = arith.constant 0 : i32
      %add3A_112 = arith.addi %add3A_111, %mul3A_110 : i32
      %get3A = arith.index_cast %add3A_112 : i32 to index
      %get3A_113 = tpu.vector_load %arg8[%get3A] {strides = array<i32>} : memref<6400xi32, #tpu.memory_space<vmem>>, vector<16xi32>,
      %get3A_114 = vector.shape_cast %get3A_113 : vector<16xi32> to vector<16xi32>
      %get3A_115 = arith.index_cast %add3A_112 : i32 to index
      %get3A_116 = tpu.vector_load %arg9[%get3A_115] {strides = array<i32>} : memref<6400xi32, #tpu.memory_space<vmem>>, vector<16xi32>,
      %get3A_117 = vector.shape_cast %get3A_116 : vector<16xi32> to vector<16xi32>
      %get3A_118 = arith.index_cast %add3A_112 : i32 to index
      %get3A_119 = tpu.vector_load %arg7[%get3A_118] {strides = array<i32>} : memref<6400xi32, #tpu.memory_space<vmem>>, vector<16xi32>,
      %get3A_120 = vector.shape_cast %get3A_119 : vector<16xi32> to vector<16xi32>
      %sub3A = arith.constant 40 : i32
      %sub3A_121 = vector.broadcast %sub3A : i32 to vector<16xi32>
      %sub3A_122 = arith.subi %get3A_114, %sub3A_121 : vector<16xi32>
      %div3A = arith.constant 5 : i32
      %div3A_123 = vector.broadcast %div3A : i32 to vector<16xi32>
      %div3A_124 = arith.divsi %sub3A_122, %div3A_123 : vector<16xi32>
      %mul3A_125 = arith.constant 8 : i32
      %mul3A_126 = vector.broadcast %mul3A_125 : i32 to vector<16xi32>
      %mul3A_127 = arith.muli %mul3A_126, %get3A_117 : vector<16xi32>
      %add3A_128 = arith.addi %div3A_124, %mul3A_127 : vector<16xi32>
      %ge3A = arith.constant 40 : i32
      %ge3A_129 = vector.broadcast %ge3A : i32 to vector<16xi32>
      %ge3A_130 = arith.cmpi sge, %get3A_114, %ge3A_129 : vector<16xi32>
      %le3A = arith.constant 80 : i32
      %le3A_131 = vector.broadcast %le3A : i32 to vector<16xi32>
      %le3A_132 = arith.cmpi sle, %get3A_114, %le3A_131 : vector<16xi32>
      %and3A = arith.andi %ge3A_130, %le3A_132 : vector<16xi1>
      %jit3A = arith.constant 16 : i32
      %broadcast_in_dim3A = vector.broadcast %jit3A : i32 to vector<16xi32>
      %select_n3A = arith.select %and3A, %add3A_128, %broadcast_in_dim3A : vector<16xi1>, vector<16xi32>
      %mul3A_133 = arith.constant 100000 : i32
      %mul3A_134 = vector.broadcast %mul3A_133 : i32 to vector<16xi32>
      %mul3A_135 = arith.muli %select_n3A, %mul3A_134 : vector<16xi32>
      %add3A_136 = arith.addi %mul3A_135, %get3A_120 : vector<16xi32>
      %swap3A = arith.index_cast %add3A_112 : i32 to index
      %swap3A_137 = tpu.vector_load %arg10[%swap3A] {strides = array<i32>} : memref<6400xi32, #tpu.memory_space<vmem>>, vector<16xi32>,
      %swap3A_138 = vector.shape_cast %swap3A_137 : vector<16xi32> to vector<16xi32>
      %swap3A_139 = vector.shape_cast %add3A_136 : vector<16xi32> to vector<16xi32>
      tpu.vector_store %arg10[%swap3A], %swap3A_139 {strides = array<i32>} : memref<6400xi32, #tpu.memory_space<vmem>>, vector<16xi32>,
    }
    %scan3A_17 = arith.constant 100 : i32
    %dma_start3A_18 = arith.constant 0 : i32
    %dma_start3A_19 = arith.constant 0 : i32
    %dma_start3A_20 = tpu.memref_slice %arg11[%dma_start3A_19] : memref<6400xf32, #tpu.memory_space<vmem>> -> memref<1600xf32, #tpu.memory_space<vmem>>
    %dma_start3A_21 = arith.constant 0 : i32
    %dma_start3A_22 = tpu.memref_slice %arg10[%dma_start3A_21] : memref<6400xi32, #tpu.memory_space<vmem>> -> memref<1600xi32, #tpu.memory_space<vmem>>
    %dma_start3A_23 = arith.constant 0 : i32
    %dma_start3A_24 = tpu.memref_slice %arg5[%dma_start3A_23] : memref<1700000xf32, #tpu.memory_space<hbm>> -> memref<1700000xf32, #tpu.memory_space<hbm>>
    %dma_start3A_25 = tpu.memref_slice %arg13[%dma_start3A_18] : memref<4x!tpu.dma_semaphore, #tpu.memory_space<semaphore_mem>> -> memref<1x!tpu.dma_semaphore, #tpu.memory_space<semaphore_mem>>
    %dma_start3A_26 = tpu.memref_squeeze %dma_start3A_25 : memref<1x!tpu.dma_semaphore, #tpu.memory_space<semaphore_mem>> -> memref<!tpu.dma_semaphore, #tpu.memory_space<semaphore_mem>>
    tpu.enqueue_indirect_dma source(%dma_start3A_24 : memref<1700000xf32, #tpu.memory_space<hbm>>) target(%dma_start3A_20 : memref<1600xf32, #tpu.memory_space<vmem>>) offsets(%dma_start3A_22 : memref<1600xi32, #tpu.memory_space<vmem>>) semaphore(%dma_start3A_26 : memref<!tpu.dma_semaphore, #tpu.memory_space<semaphore_mem>>)
    %scan3A_27 = arith.constant 0 : i32
    %scan3A_28 = arith.constant 0 : i32
    %scan3A_29 = arith.constant 100 : i32
    %scan3A_30 = arith.addi %scan3A_28, %scan3A_29 : i32
    %scan3A_31 = arith.constant 1 : i32
    scf.for %scan3A_108 = %scan3A_28 to %scan3A_30 step %scan3A_31  : i32 {
      %mul3A_109 = arith.constant 16 : i32
      %mul3A_110 = arith.muli %scan3A_108, %mul3A_109 : i32
      %add3A_111 = arith.constant 1600 : i32
      %add3A_112 = arith.addi %add3A_111, %mul3A_110 : i32
      %get3A = arith.index_cast %add3A_112 : i32 to index
      %get3A_113 = tpu.vector_load %arg8[%get3A] {strides = array<i32>} : memref<6400xi32, #tpu.memory_space<vmem>>, vector<16xi32>,
      %get3A_114 = vector.shape_cast %get3A_113 : vector<16xi32> to vector<16xi32>
      %get3A_115 = arith.index_cast %add3A_112 : i32 to index
      %get3A_116 = tpu.vector_load %arg9[%get3A_115] {strides = array<i32>} : memref<6400xi32, #tpu.memory_space<vmem>>, vector<16xi32>,
      %get3A_117 = vector.shape_cast %get3A_116 : vector<16xi32> to vector<16xi32>
      %get3A_118 = arith.index_cast %add3A_112 : i32 to index
      %get3A_119 = tpu.vector_load %arg7[%get3A_118] {strides = array<i32>} : memref<6400xi32, #tpu.memory_space<vmem>>, vector<16xi32>,
      %get3A_120 = vector.shape_cast %get3A_119 : vector<16xi32> to vector<16xi32>
      %sub3A = arith.constant 40 : i32
      %sub3A_121 = vector.broadcast %sub3A : i32 to vector<16xi32>
      %sub3A_122 = arith.subi %get3A_114, %sub3A_121 : vector<16xi32>
      %div3A = arith.constant 5 : i32
      %div3A_123 = vector.broadcast %div3A : i32 to vector<16xi32>
      %div3A_124 = arith.divsi %sub3A_122, %div3A_123 : vector<16xi32>
      %mul3A_125 = arith.constant 8 : i32
      %mul3A_126 = vector.broadcast %mul3A_125 : i32 to vector<16xi32>
      %mul3A_127 = arith.muli %mul3A_126, %get3A_117 : vector<16xi32>
      %add3A_128 = arith.addi %div3A_124, %mul3A_127 : vector<16xi32>
      %ge3A = arith.constant 40 : i32
      %ge3A_129 = vector.broadcast %ge3A : i32 to vector<16xi32>
      %ge3A_130 = arith.cmpi sge, %get3A_114, %ge3A_129 : vector<16xi32>
      %le3A = arith.constant 80 : i32
      %le3A_131 = vector.broadcast %le3A : i32 to vector<16xi32>
      %le3A_132 = arith.cmpi sle, %get3A_114, %le3A_131 : vector<16xi32>
      %and3A = arith.andi %ge3A_130, %le3A_132 : vector<16xi1>
      %jit3A = arith.constant 16 : i32
      %broadcast_in_dim3A = vector.broadcast %jit3A : i32 to vector<16xi32>
      %select_n3A = arith.select %and3A, %add3A_128, %broadcast_in_dim3A : vector<16xi1>, vector<16xi32>
      %mul3A_133 = arith.constant 100000 : i32
      %mul3A_134 = vector.broadcast %mul3A_133 : i32 to vector<16xi32>
      %mul3A_135 = arith.muli %select_n3A, %mul3A_134 : vector<16xi32>
      %add3A_136 = arith.addi %mul3A_135, %get3A_120 : vector<16xi32>
      %swap3A = arith.index_cast %add3A_112 : i32 to index
      %swap3A_137 = tpu.vector_load %arg10[%swap3A] {strides = array<i32>} : memref<6400xi32, #tpu.memory_space<vmem>>, vector<16xi32>,
      %swap3A_138 = vector.shape_cast %swap3A_137 : vector<16xi32> to vector<16xi32>
      %swap3A_139 = vector.shape_cast %add3A_136 : vector<16xi32> to vector<16xi32>
      tpu.vector_store %arg10[%swap3A], %swap3A_139 {strides = array<i32>} : memref<6400xi32, #tpu.memory_space<vmem>>, vector<16xi32>,
    }
    %scan3A_32 = arith.constant 100 : i32
    %dma_start3A_33 = arith.constant 1 : i32
    %dma_start3A_34 = arith.constant 1600 : i32
    %dma_start3A_35 = tpu.memref_slice %arg11[%dma_start3A_34] : memref<6400xf32, #tpu.memory_space<vmem>> -> memref<1600xf32, #tpu.memory_space<vmem>>
    %dma_start3A_36 = arith.constant 1600 : i32
    %dma_start3A_37 = tpu.memref_slice %arg10[%dma_start3A_36] : memref<6400xi32, #tpu.memory_space<vmem>> -> memref<1600xi32, #tpu.memory_space<vmem>>
    %dma_start3A_38 = arith.constant 0 : i32
    %dma_start3A_39 = tpu.memref_slice %arg5[%dma_start3A_38] : memref<1700000xf32, #tpu.memory_space<hbm>> -> memref<1700000xf32, #tpu.memory_space<hbm>>
    %dma_start3A_40 = tpu.memref_slice %arg13[%dma_start3A_33] : memref<4x!tpu.dma_semaphore, #tpu.memory_space<semaphore_mem>> -> memref<1x!tpu.dma_semaphore, #tpu.memory_space<semaphore_mem>>
    %dma_start3A_41 = tpu.memref_squeeze %dma_start3A_40 : memref<1x!tpu.dma_semaphore, #tpu.memory_space<semaphore_mem>> -> memref<!tpu.dma_semaphore, #tpu.memory_space<semaphore_mem>>
    tpu.enqueue_indirect_dma source(%dma_start3A_39 : memref<1700000xf32, #tpu.memory_space<hbm>>) target(%dma_start3A_35 : memref<1600xf32, #tpu.memory_space<vmem>>) offsets(%dma_start3A_37 : memref<1600xi32, #tpu.memory_space<vmem>>) semaphore(%dma_start3A_41 : memref<!tpu.dma_semaphore, #tpu.memory_space<semaphore_mem>>)
    %scan3A_42 = arith.constant 0 : i32
    %scan3A_43 = arith.constant 0 : i32
    %scan3A_44 = arith.constant 100 : i32
    %scan3A_45 = arith.addi %scan3A_43, %scan3A_44 : i32
    %scan3A_46 = arith.constant 1 : i32
    scf.for %scan3A_108 = %scan3A_43 to %scan3A_45 step %scan3A_46  : i32 {
      %mul3A_109 = arith.constant 16 : i32
      %mul3A_110 = arith.muli %scan3A_108, %mul3A_109 : i32
      %add3A_111 = arith.constant 3200 : i32
      %add3A_112 = arith.addi %add3A_111, %mul3A_110 : i32
      %get3A = arith.index_cast %add3A_112 : i32 to index
      %get3A_113 = tpu.vector_load %arg8[%get3A] {strides = array<i32>} : memref<6400xi32, #tpu.memory_space<vmem>>, vector<16xi32>,
      %get3A_114 = vector.shape_cast %get3A_113 : vector<16xi32> to vector<16xi32>
      %get3A_115 = arith.index_cast %add3A_112 : i32 to index
      %get3A_116 = tpu.vector_load %arg9[%get3A_115] {strides = array<i32>} : memref<6400xi32, #tpu.memory_space<vmem>>, vector<16xi32>,
      %get3A_117 = vector.shape_cast %get3A_116 : vector<16xi32> to vector<16xi32>
      %get3A_118 = arith.index_cast %add3A_112 : i32 to index
      %get3A_119 = tpu.vector_load %arg7[%get3A_118] {strides = array<i32>} : memref<6400xi32, #tpu.memory_space<vmem>>, vector<16xi32>,
      %get3A_120 = vector.shape_cast %get3A_119 : vector<16xi32> to vector<16xi32>
      %sub3A = arith.constant 40 : i32
      %sub3A_121 = vector.broadcast %sub3A : i32 to vector<16xi32>
      %sub3A_122 = arith.subi %get3A_114, %sub3A_121 : vector<16xi32>
      %div3A = arith.constant 5 : i32
      %div3A_123 = vector.broadcast %div3A : i32 to vector<16xi32>
      %div3A_124 = arith.divsi %sub3A_122, %div3A_123 : vector<16xi32>
      %mul3A_125 = arith.constant 8 : i32
      %mul3A_126 = vector.broadcast %mul3A_125 : i32 to vector<16xi32>
      %mul3A_127 = arith.muli %mul3A_126, %get3A_117 : vector<16xi32>
      %add3A_128 = arith.addi %div3A_124, %mul3A_127 : vector<16xi32>
      %ge3A = arith.constant 40 : i32
      %ge3A_129 = vector.broadcast %ge3A : i32 to vector<16xi32>
      %ge3A_130 = arith.cmpi sge, %get3A_114, %ge3A_129 : vector<16xi32>
      %le3A = arith.constant 80 : i32
      %le3A_131 = vector.broadcast %le3A : i32 to vector<16xi32>
      %le3A_132 = arith.cmpi sle, %get3A_114, %le3A_131 : vector<16xi32>
      %and3A = arith.andi %ge3A_130, %le3A_132 : vector<16xi1>
      %jit3A = arith.constant 16 : i32
      %broadcast_in_dim3A = vector.broadcast %jit3A : i32 to vector<16xi32>
      %select_n3A = arith.select %and3A, %add3A_128, %broadcast_in_dim3A : vector<16xi1>, vector<16xi32>
      %mul3A_133 = arith.constant 100000 : i32
      %mul3A_134 = vector.broadcast %mul3A_133 : i32 to vector<16xi32>
      %mul3A_135 = arith.muli %select_n3A, %mul3A_134 : vector<16xi32>
      %add3A_136 = arith.addi %mul3A_135, %get3A_120 : vector<16xi32>
      %swap3A = arith.index_cast %add3A_112 : i32 to index
      %swap3A_137 = tpu.vector_load %arg10[%swap3A] {strides = array<i32>} : memref<6400xi32, #tpu.memory_space<vmem>>, vector<16xi32>,
      %swap3A_138 = vector.shape_cast %swap3A_137 : vector<16xi32> to vector<16xi32>
      %swap3A_139 = vector.shape_cast %add3A_136 : vector<16xi32> to vector<16xi32>
      tpu.vector_store %arg10[%swap3A], %swap3A_139 {strides = array<i32>} : memref<6400xi32, #tpu.memory_space<vmem>>, vector<16xi32>,
    }
    %scan3A_47 = arith.constant 100 : i32
    %dma_start3A_48 = arith.constant 2 : i32
    %dma_start3A_49 = arith.constant 3200 : i32
    %dma_start3A_50 = tpu.memref_slice %arg11[%dma_start3A_49] : memref<6400xf32, #tpu.memory_space<vmem>> -> memref<1600xf32, #tpu.memory_space<vmem>>
    %dma_start3A_51 = arith.constant 3200 : i32
    %dma_start3A_52 = tpu.memref_slice %arg10[%dma_start3A_51] : memref<6400xi32, #tpu.memory_space<vmem>> -> memref<1600xi32, #tpu.memory_space<vmem>>
    %dma_start3A_53 = arith.constant 0 : i32
    %dma_start3A_54 = tpu.memref_slice %arg5[%dma_start3A_53] : memref<1700000xf32, #tpu.memory_space<hbm>> -> memref<1700000xf32, #tpu.memory_space<hbm>>
    %dma_start3A_55 = tpu.memref_slice %arg13[%dma_start3A_48] : memref<4x!tpu.dma_semaphore, #tpu.memory_space<semaphore_mem>> -> memref<1x!tpu.dma_semaphore, #tpu.memory_space<semaphore_mem>>
    %dma_start3A_56 = tpu.memref_squeeze %dma_start3A_55 : memref<1x!tpu.dma_semaphore, #tpu.memory_space<semaphore_mem>> -> memref<!tpu.dma_semaphore, #tpu.memory_space<semaphore_mem>>
    tpu.enqueue_indirect_dma source(%dma_start3A_54 : memref<1700000xf32, #tpu.memory_space<hbm>>) target(%dma_start3A_50 : memref<1600xf32, #tpu.memory_space<vmem>>) offsets(%dma_start3A_52 : memref<1600xi32, #tpu.memory_space<vmem>>) semaphore(%dma_start3A_56 : memref<!tpu.dma_semaphore, #tpu.memory_space<semaphore_mem>>)
    %scan3A_57 = arith.constant 0 : i32
    %scan3A_58 = arith.constant 0 : i32
    %scan3A_59 = arith.constant 100 : i32
    %scan3A_60 = arith.addi %scan3A_58, %scan3A_59 : i32
    %scan3A_61 = arith.constant 1 : i32
    scf.for %scan3A_108 = %scan3A_58 to %scan3A_60 step %scan3A_61  : i32 {
      %mul3A_109 = arith.constant 16 : i32
      %mul3A_110 = arith.muli %scan3A_108, %mul3A_109 : i32
      %add3A_111 = arith.constant 4800 : i32
      %add3A_112 = arith.addi %add3A_111, %mul3A_110 : i32
      %get3A = arith.index_cast %add3A_112 : i32 to index
      %get3A_113 = tpu.vector_load %arg8[%get3A] {strides = array<i32>} : memref<6400xi32, #tpu.memory_space<vmem>>, vector<16xi32>,
      %get3A_114 = vector.shape_cast %get3A_113 : vector<16xi32> to vector<16xi32>
      %get3A_115 = arith.index_cast %add3A_112 : i32 to index
      %get3A_116 = tpu.vector_load %arg9[%get3A_115] {strides = array<i32>} : memref<6400xi32, #tpu.memory_space<vmem>>, vector<16xi32>,
      %get3A_117 = vector.shape_cast %get3A_116 : vector<16xi32> to vector<16xi32>
      %get3A_118 = arith.index_cast %add3A_112 : i32 to index
      %get3A_119 = tpu.vector_load %arg7[%get3A_118] {strides = array<i32>} : memref<6400xi32, #tpu.memory_space<vmem>>, vector<16xi32>,
      %get3A_120 = vector.shape_cast %get3A_119 : vector<16xi32> to vector<16xi32>
      %sub3A = arith.constant 40 : i32
      %sub3A_121 = vector.broadcast %sub3A : i32 to vector<16xi32>
      %sub3A_122 = arith.subi %get3A_114, %sub3A_121 : vector<16xi32>
      %div3A = arith.constant 5 : i32
      %div3A_123 = vector.broadcast %div3A : i32 to vector<16xi32>
      %div3A_124 = arith.divsi %sub3A_122, %div3A_123 : vector<16xi32>
      %mul3A_125 = arith.constant 8 : i32
      %mul3A_126 = vector.broadcast %mul3A_125 : i32 to vector<16xi32>
      %mul3A_127 = arith.muli %mul3A_126, %get3A_117 : vector<16xi32>
      %add3A_128 = arith.addi %div3A_124, %mul3A_127 : vector<16xi32>
      %ge3A = arith.constant 40 : i32
      %ge3A_129 = vector.broadcast %ge3A : i32 to vector<16xi32>
      %ge3A_130 = arith.cmpi sge, %get3A_114, %ge3A_129 : vector<16xi32>
      %le3A = arith.constant 80 : i32
      %le3A_131 = vector.broadcast %le3A : i32 to vector<16xi32>
      %le3A_132 = arith.cmpi sle, %get3A_114, %le3A_131 : vector<16xi32>
      %and3A = arith.andi %ge3A_130, %le3A_132 : vector<16xi1>
      %jit3A = arith.constant 16 : i32
      %broadcast_in_dim3A = vector.broadcast %jit3A : i32 to vector<16xi32>
      %select_n3A = arith.select %and3A, %add3A_128, %broadcast_in_dim3A : vector<16xi1>, vector<16xi32>
      %mul3A_133 = arith.constant 100000 : i32
      %mul3A_134 = vector.broadcast %mul3A_133 : i32 to vector<16xi32>
      %mul3A_135 = arith.muli %select_n3A, %mul3A_134 : vector<16xi32>
      %add3A_136 = arith.addi %mul3A_135, %get3A_120 : vector<16xi32>
      %swap3A = arith.index_cast %add3A_112 : i32 to index
      %swap3A_137 = tpu.vector_load %arg10[%swap3A] {strides = array<i32>} : memref<6400xi32, #tpu.memory_space<vmem>>, vector<16xi32>,
      %swap3A_138 = vector.shape_cast %swap3A_137 : vector<16xi32> to vector<16xi32>
      %swap3A_139 = vector.shape_cast %add3A_136 : vector<16xi32> to vector<16xi32>
      tpu.vector_store %arg10[%swap3A], %swap3A_139 {strides = array<i32>} : memref<6400xi32, #tpu.memory_space<vmem>>, vector<16xi32>,
    }
    %scan3A_62 = arith.constant 100 : i32
    %dma_start3A_63 = arith.constant 3 : i32
    %dma_start3A_64 = arith.constant 4800 : i32
    %dma_start3A_65 = tpu.memref_slice %arg11[%dma_start3A_64] : memref<6400xf32, #tpu.memory_space<vmem>> -> memref<1600xf32, #tpu.memory_space<vmem>>
    %dma_start3A_66 = arith.constant 4800 : i32
    %dma_start3A_67 = tpu.memref_slice %arg10[%dma_start3A_66] : memref<6400xi32, #tpu.memory_space<vmem>> -> memref<1600xi32, #tpu.memory_space<vmem>>
    %dma_start3A_68 = arith.constant 0 : i32
    %dma_start3A_69 = tpu.memref_slice %arg5[%dma_start3A_68] : memref<1700000xf32, #tpu.memory_space<hbm>> -> memref<1700000xf32, #tpu.memory_space<hbm>>
    %dma_start3A_70 = tpu.memref_slice %arg13[%dma_start3A_63] : memref<4x!tpu.dma_semaphore, #tpu.memory_space<semaphore_mem>> -> memref<1x!tpu.dma_semaphore, #tpu.memory_space<semaphore_mem>>
    %dma_start3A_71 = tpu.memref_squeeze %dma_start3A_70 : memref<1x!tpu.dma_semaphore, #tpu.memory_space<semaphore_mem>> -> memref<!tpu.dma_semaphore, #tpu.memory_space<semaphore_mem>>
    tpu.enqueue_indirect_dma source(%dma_start3A_69 : memref<1700000xf32, #tpu.memory_space<hbm>>) target(%dma_start3A_65 : memref<1600xf32, #tpu.memory_space<vmem>>) offsets(%dma_start3A_67 : memref<1600xi32, #tpu.memory_space<vmem>>) semaphore(%dma_start3A_71 : memref<!tpu.dma_semaphore, #tpu.memory_space<semaphore_mem>>)
    %dma_wait3A_72 = arith.constant 0 : i32
    %dma_wait3A_73 = arith.constant 0 : i32
    %dma_wait3A_74 = tpu.memref_slice %arg11[%dma_wait3A_73] : memref<6400xf32, #tpu.memory_space<vmem>> -> memref<1600xf32, #tpu.memory_space<vmem>>
    %dma_wait3A_75 = arith.constant 0 : i32
    %dma_wait3A_76 = tpu.memref_slice %arg10[%dma_wait3A_75] : memref<6400xi32, #tpu.memory_space<vmem>> -> memref<1600xi32, #tpu.memory_space<vmem>>
    %dma_wait3A_77 = arith.constant 0 : i32
    %dma_wait3A_78 = tpu.memref_slice %arg5[%dma_wait3A_77] : memref<1700000xf32, #tpu.memory_space<hbm>> -> memref<1700000xf32, #tpu.memory_space<hbm>>
    %dma_wait3A_79 = tpu.memref_slice %arg13[%dma_wait3A_72] : memref<4x!tpu.dma_semaphore, #tpu.memory_space<semaphore_mem>> -> memref<1x!tpu.dma_semaphore, #tpu.memory_space<semaphore_mem>>
    %dma_wait3A_80 = tpu.memref_squeeze %dma_wait3A_79 : memref<1x!tpu.dma_semaphore, #tpu.memory_space<semaphore_mem>> -> memref<!tpu.dma_semaphore, #tpu.memory_space<semaphore_mem>>
    tpu.wait_indirect_dma semaphore(%dma_wait3A_80 : memref<!tpu.dma_semaphore, #tpu.memory_space<semaphore_mem>>) src(%dma_wait3A_78 : memref<1700000xf32, #tpu.memory_space<hbm>>) dst(%dma_wait3A_74 : memref<1600xf32, #tpu.memory_space<vmem>>)
    %dma_wait3A_81 = arith.constant 1 : i32
    %dma_wait3A_82 = arith.constant 1600 : i32
    %dma_wait3A_83 = tpu.memref_slice %arg11[%dma_wait3A_82] : memref<6400xf32, #tpu.memory_space<vmem>> -> memref<1600xf32, #tpu.memory_space<vmem>>
    %dma_wait3A_84 = arith.constant 1600 : i32
    %dma_wait3A_85 = tpu.memref_slice %arg10[%dma_wait3A_84] : memref<6400xi32, #tpu.memory_space<vmem>> -> memref<1600xi32, #tpu.memory_space<vmem>>
    %dma_wait3A_86 = arith.constant 0 : i32
    %dma_wait3A_87 = tpu.memref_slice %arg5[%dma_wait3A_86] : memref<1700000xf32, #tpu.memory_space<hbm>> -> memref<1700000xf32, #tpu.memory_space<hbm>>
    %dma_wait3A_88 = tpu.memref_slice %arg13[%dma_wait3A_81] : memref<4x!tpu.dma_semaphore, #tpu.memory_space<semaphore_mem>> -> memref<1x!tpu.dma_semaphore, #tpu.memory_space<semaphore_mem>>
    %dma_wait3A_89 = tpu.memref_squeeze %dma_wait3A_88 : memref<1x!tpu.dma_semaphore, #tpu.memory_space<semaphore_mem>> -> memref<!tpu.dma_semaphore, #tpu.memory_space<semaphore_mem>>
    tpu.wait_indirect_dma semaphore(%dma_wait3A_89 : memref<!tpu.dma_semaphore, #tpu.memory_space<semaphore_mem>>) src(%dma_wait3A_87 : memref<1700000xf32, #tpu.memory_space<hbm>>) dst(%dma_wait3A_83 : memref<1600xf32, #tpu.memory_space<vmem>>)
    %dma_wait3A_90 = arith.constant 2 : i32
    %dma_wait3A_91 = arith.constant 3200 : i32
    %dma_wait3A_92 = tpu.memref_slice %arg11[%dma_wait3A_91] : memref<6400xf32, #tpu.memory_space<vmem>> -> memref<1600xf32, #tpu.memory_space<vmem>>
    %dma_wait3A_93 = arith.constant 3200 : i32
    %dma_wait3A_94 = tpu.memref_slice %arg10[%dma_wait3A_93] : memref<6400xi32, #tpu.memory_space<vmem>> -> memref<1600xi32, #tpu.memory_space<vmem>>
    %dma_wait3A_95 = arith.constant 0 : i32
    %dma_wait3A_96 = tpu.memref_slice %arg5[%dma_wait3A_95] : memref<1700000xf32, #tpu.memory_space<hbm>> -> memref<1700000xf32, #tpu.memory_space<hbm>>
    %dma_wait3A_97 = tpu.memref_slice %arg13[%dma_wait3A_90] : memref<4x!tpu.dma_semaphore, #tpu.memory_space<semaphore_mem>> -> memref<1x!tpu.dma_semaphore, #tpu.memory_space<semaphore_mem>>
    %dma_wait3A_98 = tpu.memref_squeeze %dma_wait3A_97 : memref<1x!tpu.dma_semaphore, #tpu.memory_space<semaphore_mem>> -> memref<!tpu.dma_semaphore, #tpu.memory_space<semaphore_mem>>
    tpu.wait_indirect_dma semaphore(%dma_wait3A_98 : memref<!tpu.dma_semaphore, #tpu.memory_space<semaphore_mem>>) src(%dma_wait3A_96 : memref<1700000xf32, #tpu.memory_space<hbm>>) dst(%dma_wait3A_92 : memref<1600xf32, #tpu.memory_space<vmem>>)
    %dma_wait3A_99 = arith.constant 3 : i32
    %dma_wait3A_100 = arith.constant 4800 : i32
    %dma_wait3A_101 = tpu.memref_slice %arg11[%dma_wait3A_100] : memref<6400xf32, #tpu.memory_space<vmem>> -> memref<1600xf32, #tpu.memory_space<vmem>>
    %dma_wait3A_102 = arith.constant 4800 : i32
    %dma_wait3A_103 = tpu.memref_slice %arg10[%dma_wait3A_102] : memref<6400xi32, #tpu.memory_space<vmem>> -> memref<1600xi32, #tpu.memory_space<vmem>>
    %dma_wait3A_104 = arith.constant 0 : i32
    %dma_wait3A_105 = tpu.memref_slice %arg5[%dma_wait3A_104] : memref<1700000xf32, #tpu.memory_space<hbm>> -> memref<1700000xf32, #tpu.memory_space<hbm>>
    %dma_wait3A_106 = tpu.memref_slice %arg13[%dma_wait3A_99] : memref<4x!tpu.dma_semaphore, #tpu.memory_space<semaphore_mem>> -> memref<1x!tpu.dma_semaphore, #tpu.memory_space<semaphore_mem>>
    %dma_wait3A_107 = tpu.memref_squeeze %dma_wait3A_106 : memref<1x!tpu.dma_semaphore, #tpu.memory_space<semaphore_mem>> -> memref<!tpu.dma_semaphore, #tpu.memory_space<semaphore_mem>>
    tpu.wait_indirect_dma semaphore(%dma_wait3A_107 : memref<!tpu.dma_semaphore, #tpu.memory_space<semaphore_mem>>) src(%dma_wait3A_105 : memref<1700000xf32, #tpu.memory_space<hbm>>) dst(%dma_wait3A_101 : memref<1600xf32, #tpu.memory_space<vmem>>)
    "tpu.region"() ({
      %run_scoped3A = tpu.sem_alloc : memref<!tpu.dma_semaphore, #tpu.memory_space<semaphore_mem>>
      %dma_start3A_108 = tpu.memref_slice %arg6[%mul3A_2] : memref<204800xf32, #tpu.memory_space<hbm>> -> memref<6400xf32, #tpu.memory_space<hbm>>
      %dma_start3A_109 = tpu.memref_slice %arg6[%mul3A_2] : memref<204800xf32, #tpu.memory_space<hbm>> -> memref<6400xf32, #tpu.memory_space<hbm>>
      tpu.enqueue_dma source(%arg11 : memref<6400xf32, #tpu.memory_space<vmem>>) target(%dma_start3A_109 : memref<6400xf32, #tpu.memory_space<hbm>>) target_semaphore(%run_scoped3A : memref<!tpu.dma_semaphore, #tpu.memory_space<semaphore_mem>>)
      %dma_wait3A_110 = tpu.memref_slice %arg6[%mul3A_2] : memref<204800xf32, #tpu.memory_space<hbm>> -> memref<6400xf32, #tpu.memory_space<hbm>>
      %dma_wait3A_111 = tpu.memref_slice %arg6[%mul3A_2] : memref<204800xf32, #tpu.memory_space<hbm>> -> memref<6400xf32, #tpu.memory_space<hbm>>
      tpu.wait_dma2 semaphore(%run_scoped3A : memref<!tpu.dma_semaphore, #tpu.memory_space<semaphore_mem>>) src(%arg11 : memref<6400xf32, #tpu.memory_space<vmem>>) dst(%dma_wait3A_111 : memref<6400xf32, #tpu.memory_space<hbm>>)
      tpu.yield
    }) : () -> ()
    return
  }
}

module attributes {stable_mosaic.version = 14 : i64} {
  func.func @_tc_pipe(%arg0: memref<204800x128xf32, #tpu.memory_space<any>>, %arg1: memref<204800x128xf32, #tpu.memory_space<any>>, %arg2: memref<204800xf32, #tpu.memory_space<any>>, %arg3: memref<204800x128xf32, #tpu.memory_space<any>>, %arg4: memref<3x4096x128xf32, #tpu.memory_space<vmem>>, %arg5: memref<3x4096x128xf32, #tpu.memory_space<vmem>>, %arg6: memref<3x4096xf32, #tpu.memory_space<vmem>>, %arg7: memref<3x4096x128xf32, #tpu.memory_space<vmem>>, %arg8: memref<3x!tpu.dma_semaphore, #tpu.memory_space<semaphore_mem>>, %arg9: memref<3x!tpu.dma_semaphore, #tpu.memory_space<semaphore_mem>>, %arg10: memref<3x!tpu.dma_semaphore, #tpu.memory_space<semaphore_mem>>, %arg11: memref<3x!tpu.dma_semaphore, #tpu.memory_space<semaphore_mem>>) attributes {dimension_semantics = [], scalar_prefetch = 0 : i64, scratch_operands = 8 : i64, tpu.core_type = #tpu.core_type<tc>} {
    %dma_start3A = arith.constant 0 : i32
    %dma_start3A_0 = arith.constant 0 : i32
    %dma_start3A_1 = tpu.memref_slice %arg8[%dma_start3A_0] : memref<3x!tpu.dma_semaphore, #tpu.memory_space<semaphore_mem>> -> memref<1x!tpu.dma_semaphore, #tpu.memory_space<semaphore_mem>>
    %dma_start3A_2 = tpu.memref_squeeze %dma_start3A_1 : memref<1x!tpu.dma_semaphore, #tpu.memory_space<semaphore_mem>> -> memref<!tpu.dma_semaphore, #tpu.memory_space<semaphore_mem>>
    %dma_start3A_3 = arith.constant 0 : i32
    %dma_start3A_4 = arith.constant 0 : i32
    %dma_start3A_5 = tpu.memref_slice %arg4[%dma_start3A, %dma_start3A_3, %dma_start3A_4] : memref<3x4096x128xf32, #tpu.memory_space<vmem>> -> memref<1x4096x128xf32, #tpu.memory_space<vmem>>
    %dma_start3A_6 = tpu.memref_squeeze %dma_start3A_5 : memref<1x4096x128xf32, #tpu.memory_space<vmem>> -> memref<4096x128xf32, #tpu.memory_space<vmem>>
    %dma_start3A_7 = arith.constant 0 : i32
    %dma_start3A_8 = arith.constant 0 : i32
    %dma_start3A_9 = tpu.memref_slice %arg0[%dma_start3A_7, %dma_start3A_8] : memref<204800x128xf32, #tpu.memory_space<any>> -> memref<4096x128xf32, #tpu.memory_space<any>>
    tpu.enqueue_dma source(%dma_start3A_9 : memref<4096x128xf32, #tpu.memory_space<any>>) target(%dma_start3A_6 : memref<4096x128xf32, #tpu.memory_space<vmem>>) target_semaphore(%dma_start3A_2 : memref<!tpu.dma_semaphore, #tpu.memory_space<semaphore_mem>>)
    %dma_start3A_10 = arith.constant 0 : i32
    %dma_start3A_11 = arith.constant 0 : i32
    %dma_start3A_12 = tpu.memref_slice %arg9[%dma_start3A_11] : memref<3x!tpu.dma_semaphore, #tpu.memory_space<semaphore_mem>> -> memref<1x!tpu.dma_semaphore, #tpu.memory_space<semaphore_mem>>
    %dma_start3A_13 = tpu.memref_squeeze %dma_start3A_12 : memref<1x!tpu.dma_semaphore, #tpu.memory_space<semaphore_mem>> -> memref<!tpu.dma_semaphore, #tpu.memory_space<semaphore_mem>>
    %dma_start3A_14 = arith.constant 0 : i32
    %dma_start3A_15 = arith.constant 0 : i32
    %dma_start3A_16 = tpu.memref_slice %arg5[%dma_start3A_10, %dma_start3A_14, %dma_start3A_15] : memref<3x4096x128xf32, #tpu.memory_space<vmem>> -> memref<1x4096x128xf32, #tpu.memory_space<vmem>>
    %dma_start3A_17 = tpu.memref_squeeze %dma_start3A_16 : memref<1x4096x128xf32, #tpu.memory_space<vmem>> -> memref<4096x128xf32, #tpu.memory_space<vmem>>
    %dma_start3A_18 = arith.constant 0 : i32
    %dma_start3A_19 = arith.constant 0 : i32
    %dma_start3A_20 = tpu.memref_slice %arg1[%dma_start3A_18, %dma_start3A_19] : memref<204800x128xf32, #tpu.memory_space<any>> -> memref<4096x128xf32, #tpu.memory_space<any>>
    tpu.enqueue_dma source(%dma_start3A_20 : memref<4096x128xf32, #tpu.memory_space<any>>) target(%dma_start3A_17 : memref<4096x128xf32, #tpu.memory_space<vmem>>) target_semaphore(%dma_start3A_13 : memref<!tpu.dma_semaphore, #tpu.memory_space<semaphore_mem>>)
    %dma_start3A_21 = arith.constant 0 : i32
    %dma_start3A_22 = arith.constant 0 : i32
    %dma_start3A_23 = tpu.memref_slice %arg10[%dma_start3A_22] : memref<3x!tpu.dma_semaphore, #tpu.memory_space<semaphore_mem>> -> memref<1x!tpu.dma_semaphore, #tpu.memory_space<semaphore_mem>>
    %dma_start3A_24 = tpu.memref_squeeze %dma_start3A_23 : memref<1x!tpu.dma_semaphore, #tpu.memory_space<semaphore_mem>> -> memref<!tpu.dma_semaphore, #tpu.memory_space<semaphore_mem>>
    %dma_start3A_25 = arith.constant 0 : i32
    %dma_start3A_26 = tpu.memref_slice %arg6[%dma_start3A_21, %dma_start3A_25] : memref<3x4096xf32, #tpu.memory_space<vmem>> -> memref<1x4096xf32, #tpu.memory_space<vmem>>
    %dma_start3A_27 = tpu.memref_squeeze %dma_start3A_26 : memref<1x4096xf32, #tpu.memory_space<vmem>> -> memref<4096xf32, #tpu.memory_space<vmem>>
    %dma_start3A_28 = arith.constant 0 : i32
    %dma_start3A_29 = tpu.memref_slice %arg2[%dma_start3A_28] : memref<204800xf32, #tpu.memory_space<any>> -> memref<4096xf32, #tpu.memory_space<any>>
    tpu.enqueue_dma source(%dma_start3A_29 : memref<4096xf32, #tpu.memory_space<any>>) target(%dma_start3A_27 : memref<4096xf32, #tpu.memory_space<vmem>>) target_semaphore(%dma_start3A_24 : memref<!tpu.dma_semaphore, #tpu.memory_space<semaphore_mem>>)
    %dma_start3A_30 = arith.constant 1 : i32
    %dma_start3A_31 = arith.constant 1 : i32
    %dma_start3A_32 = tpu.memref_slice %arg8[%dma_start3A_31] : memref<3x!tpu.dma_semaphore, #tpu.memory_space<semaphore_mem>> -> memref<1x!tpu.dma_semaphore, #tpu.memory_space<semaphore_mem>>
    %dma_start3A_33 = tpu.memref_squeeze %dma_start3A_32 : memref<1x!tpu.dma_semaphore, #tpu.memory_space<semaphore_mem>> -> memref<!tpu.dma_semaphore, #tpu.memory_space<semaphore_mem>>
    %dma_start3A_34 = arith.constant 0 : i32
    %dma_start3A_35 = arith.constant 0 : i32
    %dma_start3A_36 = tpu.memref_slice %arg4[%dma_start3A_30, %dma_start3A_34, %dma_start3A_35] : memref<3x4096x128xf32, #tpu.memory_space<vmem>> -> memref<1x4096x128xf32, #tpu.memory_space<vmem>>
    %dma_start3A_37 = tpu.memref_squeeze %dma_start3A_36 : memref<1x4096x128xf32, #tpu.memory_space<vmem>> -> memref<4096x128xf32, #tpu.memory_space<vmem>>
    %dma_start3A_38 = arith.constant 4096 : i32
    %dma_start3A_39 = arith.constant 0 : i32
    %dma_start3A_40 = tpu.memref_slice %arg0[%dma_start3A_38, %dma_start3A_39] : memref<204800x128xf32, #tpu.memory_space<any>> -> memref<4096x128xf32, #tpu.memory_space<any>>
    tpu.enqueue_dma source(%dma_start3A_40 : memref<4096x128xf32, #tpu.memory_space<any>>) target(%dma_start3A_37 : memref<4096x128xf32, #tpu.memory_space<vmem>>) target_semaphore(%dma_start3A_33 : memref<!tpu.dma_semaphore, #tpu.memory_space<semaphore_mem>>)
    %dma_start3A_41 = arith.constant 1 : i32
    %dma_start3A_42 = arith.constant 1 : i32
    %dma_start3A_43 = tpu.memref_slice %arg9[%dma_start3A_42] : memref<3x!tpu.dma_semaphore, #tpu.memory_space<semaphore_mem>> -> memref<1x!tpu.dma_semaphore, #tpu.memory_space<semaphore_mem>>
    %dma_start3A_44 = tpu.memref_squeeze %dma_start3A_43 : memref<1x!tpu.dma_semaphore, #tpu.memory_space<semaphore_mem>> -> memref<!tpu.dma_semaphore, #tpu.memory_space<semaphore_mem>>
    %dma_start3A_45 = arith.constant 0 : i32
    %dma_start3A_46 = arith.constant 0 : i32
    %dma_start3A_47 = tpu.memref_slice %arg5[%dma_start3A_41, %dma_start3A_45, %dma_start3A_46] : memref<3x4096x128xf32, #tpu.memory_space<vmem>> -> memref<1x4096x128xf32, #tpu.memory_space<vmem>>
    %dma_start3A_48 = tpu.memref_squeeze %dma_start3A_47 : memref<1x4096x128xf32, #tpu.memory_space<vmem>> -> memref<4096x128xf32, #tpu.memory_space<vmem>>
    %dma_start3A_49 = arith.constant 4096 : i32
    %dma_start3A_50 = arith.constant 0 : i32
    %dma_start3A_51 = tpu.memref_slice %arg1[%dma_start3A_49, %dma_start3A_50] : memref<204800x128xf32, #tpu.memory_space<any>> -> memref<4096x128xf32, #tpu.memory_space<any>>
    tpu.enqueue_dma source(%dma_start3A_51 : memref<4096x128xf32, #tpu.memory_space<any>>) target(%dma_start3A_48 : memref<4096x128xf32, #tpu.memory_space<vmem>>) target_semaphore(%dma_start3A_44 : memref<!tpu.dma_semaphore, #tpu.memory_space<semaphore_mem>>)
    %dma_start3A_52 = arith.constant 1 : i32
    %dma_start3A_53 = arith.constant 1 : i32
    %dma_start3A_54 = tpu.memref_slice %arg10[%dma_start3A_53] : memref<3x!tpu.dma_semaphore, #tpu.memory_space<semaphore_mem>> -> memref<1x!tpu.dma_semaphore, #tpu.memory_space<semaphore_mem>>
    %dma_start3A_55 = tpu.memref_squeeze %dma_start3A_54 : memref<1x!tpu.dma_semaphore, #tpu.memory_space<semaphore_mem>> -> memref<!tpu.dma_semaphore, #tpu.memory_space<semaphore_mem>>
    %dma_start3A_56 = arith.constant 0 : i32
    %dma_start3A_57 = tpu.memref_slice %arg6[%dma_start3A_52, %dma_start3A_56] : memref<3x4096xf32, #tpu.memory_space<vmem>> -> memref<1x4096xf32, #tpu.memory_space<vmem>>
    %dma_start3A_58 = tpu.memref_squeeze %dma_start3A_57 : memref<1x4096xf32, #tpu.memory_space<vmem>> -> memref<4096xf32, #tpu.memory_space<vmem>>
    %dma_start3A_59 = arith.constant 4096 : i32
    %dma_start3A_60 = tpu.memref_slice %arg2[%dma_start3A_59] : memref<204800xf32, #tpu.memory_space<any>> -> memref<4096xf32, #tpu.memory_space<any>>
    tpu.enqueue_dma source(%dma_start3A_60 : memref<4096xf32, #tpu.memory_space<any>>) target(%dma_start3A_58 : memref<4096xf32, #tpu.memory_space<vmem>>) target_semaphore(%dma_start3A_55 : memref<!tpu.dma_semaphore, #tpu.memory_space<semaphore_mem>>)
    %scan3A = arith.constant 0 : i32
    %scan3A_61 = arith.constant 50 : i32
    %scan3A_62 = arith.addi %scan3A, %scan3A_61 : i32
    %scan3A_63 = arith.constant 1 : i32
    scf.for %scan3A_97 = %scan3A to %scan3A_62 step %scan3A_63  : i32 {
      %rem3A = arith.constant 3 : i32
      %rem3A_98 = arith.remsi %scan3A_97, %rem3A : i32
      %add3A = arith.constant 3 : i32
      %add3A_99 = arith.addi %scan3A_97, %add3A : i32
      %sub3A = arith.constant 1 : i32
      %sub3A_100 = arith.subi %add3A_99, %sub3A : i32
      %lt3A = arith.constant 50 : i32
      %lt3A_101 = arith.cmpi slt, %sub3A_100, %lt3A : i32
      %convert_element_type3A = arith.extui %lt3A_101 : i1 to i32
      %cond3A = arith.constant 0 : i32
      %cond3A_102 = arith.cmpi ne, %convert_element_type3A, %cond3A : i32
      scf.if %cond3A_102 {
        %add3A_161 = arith.constant 3 : i32
        %add3A_162 = arith.addi %scan3A_97, %add3A_161 : i32
        %sub3A_163 = arith.constant 1 : i32
        %sub3A_164 = arith.subi %add3A_162, %sub3A_163 : i32
        %add3A_165 = arith.constant 3 : i32
        %add3A_166 = arith.addi %scan3A_97, %add3A_165 : i32
        %sub3A_167 = arith.constant 1 : i32
        %sub3A_168 = arith.subi %add3A_166, %sub3A_167 : i32
        %rem3A_169 = arith.constant 3 : i32
        %rem3A_170 = arith.remsi %sub3A_168, %rem3A_169 : i32
        %mul3A_171 = arith.constant 4096 : i32
        %mul3A_172 = arith.muli %sub3A_164, %mul3A_171 : i32
        %dma_start3A_173 = tpu.memref_slice %arg8[%rem3A_170] : memref<3x!tpu.dma_semaphore, #tpu.memory_space<semaphore_mem>> -> memref<1x!tpu.dma_semaphore, #tpu.memory_space<semaphore_mem>>
        %dma_start3A_174 = tpu.memref_squeeze %dma_start3A_173 : memref<1x!tpu.dma_semaphore, #tpu.memory_space<semaphore_mem>> -> memref<!tpu.dma_semaphore, #tpu.memory_space<semaphore_mem>>
        %dma_start3A_175 = arith.constant 0 : i32
        %dma_start3A_176 = arith.constant 0 : i32
        %dma_start3A_177 = tpu.memref_slice %arg4[%rem3A_170, %dma_start3A_175, %dma_start3A_176] : memref<3x4096x128xf32, #tpu.memory_space<vmem>> -> memref<1x4096x128xf32, #tpu.memory_space<vmem>>
        %dma_start3A_178 = tpu.memref_squeeze %dma_start3A_177 : memref<1x4096x128xf32, #tpu.memory_space<vmem>> -> memref<4096x128xf32, #tpu.memory_space<vmem>>
        %dma_start3A_179 = arith.constant 0 : i32
        %dma_start3A_180 = tpu.memref_slice %arg0[%mul3A_172, %dma_start3A_179] : memref<204800x128xf32, #tpu.memory_space<any>> -> memref<4096x128xf32, #tpu.memory_space<any>>
        tpu.enqueue_dma source(%dma_start3A_180 : memref<4096x128xf32, #tpu.memory_space<any>>) target(%dma_start3A_178 : memref<4096x128xf32, #tpu.memory_space<vmem>>) target_semaphore(%dma_start3A_174 : memref<!tpu.dma_semaphore, #tpu.memory_space<semaphore_mem>>)
        %dma_start3A_181 = tpu.memref_slice %arg9[%rem3A_170] : memref<3x!tpu.dma_semaphore, #tpu.memory_space<semaphore_mem>> -> memref<1x!tpu.dma_semaphore, #tpu.memory_space<semaphore_mem>>
        %dma_start3A_182 = tpu.memref_squeeze %dma_start3A_181 : memref<1x!tpu.dma_semaphore, #tpu.memory_space<semaphore_mem>> -> memref<!tpu.dma_semaphore, #tpu.memory_space<semaphore_mem>>
        %dma_start3A_183 = arith.constant 0 : i32
        %dma_start3A_184 = arith.constant 0 : i32
        %dma_start3A_185 = tpu.memref_slice %arg5[%rem3A_170, %dma_start3A_183, %dma_start3A_184] : memref<3x4096x128xf32, #tpu.memory_space<vmem>> -> memref<1x4096x128xf32, #tpu.memory_space<vmem>>
        %dma_start3A_186 = tpu.memref_squeeze %dma_start3A_185 : memref<1x4096x128xf32, #tpu.memory_space<vmem>> -> memref<4096x128xf32, #tpu.memory_space<vmem>>
        %dma_start3A_187 = arith.constant 0 : i32
        %dma_start3A_188 = tpu.memref_slice %arg1[%mul3A_172, %dma_start3A_187] : memref<204800x128xf32, #tpu.memory_space<any>> -> memref<4096x128xf32, #tpu.memory_space<any>>
        tpu.enqueue_dma source(%dma_start3A_188 : memref<4096x128xf32, #tpu.memory_space<any>>) target(%dma_start3A_186 : memref<4096x128xf32, #tpu.memory_space<vmem>>) target_semaphore(%dma_start3A_182 : memref<!tpu.dma_semaphore, #tpu.memory_space<semaphore_mem>>)
        %dma_start3A_189 = tpu.memref_slice %arg10[%rem3A_170] : memref<3x!tpu.dma_semaphore, #tpu.memory_space<semaphore_mem>> -> memref<1x!tpu.dma_semaphore, #tpu.memory_space<semaphore_mem>>
        %dma_start3A_190 = tpu.memref_squeeze %dma_start3A_189 : memref<1x!tpu.dma_semaphore, #tpu.memory_space<semaphore_mem>> -> memref<!tpu.dma_semaphore, #tpu.memory_space<semaphore_mem>>
        %dma_start3A_191 = arith.constant 0 : i32
        %dma_start3A_192 = tpu.memref_slice %arg6[%rem3A_170, %dma_start3A_191] : memref<3x4096xf32, #tpu.memory_space<vmem>> -> memref<1x4096xf32, #tpu.memory_space<vmem>>
        %dma_start3A_193 = tpu.memref_squeeze %dma_start3A_192 : memref<1x4096xf32, #tpu.memory_space<vmem>> -> memref<4096xf32, #tpu.memory_space<vmem>>
        %dma_start3A_194 = tpu.memref_slice %arg2[%mul3A_172] : memref<204800xf32, #tpu.memory_space<any>> -> memref<4096xf32, #tpu.memory_space<any>>
        tpu.enqueue_dma source(%dma_start3A_194 : memref<4096xf32, #tpu.memory_space<any>>) target(%dma_start3A_193 : memref<4096xf32, #tpu.memory_space<vmem>>) target_semaphore(%dma_start3A_190 : memref<!tpu.dma_semaphore, #tpu.memory_space<semaphore_mem>>)
      } else {
      }
      %mul3A = arith.constant 4096 : i32
      %mul3A_103 = arith.muli %scan3A_97, %mul3A : i32
      %dma_wait3A_104 = tpu.memref_slice %arg8[%rem3A_98] : memref<3x!tpu.dma_semaphore, #tpu.memory_space<semaphore_mem>> -> memref<1x!tpu.dma_semaphore, #tpu.memory_space<semaphore_mem>>
      %dma_wait3A_105 = tpu.memref_squeeze %dma_wait3A_104 : memref<1x!tpu.dma_semaphore, #tpu.memory_space<semaphore_mem>> -> memref<!tpu.dma_semaphore, #tpu.memory_space<semaphore_mem>>
      %dma_wait3A_106 = arith.constant 0 : i32
      %dma_wait3A_107 = arith.constant 0 : i32
      %dma_wait3A_108 = tpu.memref_slice %arg4[%rem3A_98, %dma_wait3A_106, %dma_wait3A_107] : memref<3x4096x128xf32, #tpu.memory_space<vmem>> -> memref<1x4096x128xf32, #tpu.memory_space<vmem>>
      %dma_wait3A_109 = tpu.memref_squeeze %dma_wait3A_108 : memref<1x4096x128xf32, #tpu.memory_space<vmem>> -> memref<4096x128xf32, #tpu.memory_space<vmem>>
      %dma_wait3A_110 = arith.constant 0 : i32
      %dma_wait3A_111 = tpu.memref_slice %arg0[%mul3A_103, %dma_wait3A_110] : memref<204800x128xf32, #tpu.memory_space<any>> -> memref<4096x128xf32, #tpu.memory_space<any>>
      tpu.wait_dma2 semaphore(%dma_wait3A_105 : memref<!tpu.dma_semaphore, #tpu.memory_space<semaphore_mem>>) src(%dma_wait3A_111 : memref<4096x128xf32, #tpu.memory_space<any>>) dst(%dma_wait3A_109 : memref<4096x128xf32, #tpu.memory_space<vmem>>)
      %dma_wait3A_112 = tpu.memref_slice %arg9[%rem3A_98] : memref<3x!tpu.dma_semaphore, #tpu.memory_space<semaphore_mem>> -> memref<1x!tpu.dma_semaphore, #tpu.memory_space<semaphore_mem>>
      %dma_wait3A_113 = tpu.memref_squeeze %dma_wait3A_112 : memref<1x!tpu.dma_semaphore, #tpu.memory_space<semaphore_mem>> -> memref<!tpu.dma_semaphore, #tpu.memory_space<semaphore_mem>>
      %dma_wait3A_114 = arith.constant 0 : i32
      %dma_wait3A_115 = arith.constant 0 : i32
      %dma_wait3A_116 = tpu.memref_slice %arg5[%rem3A_98, %dma_wait3A_114, %dma_wait3A_115] : memref<3x4096x128xf32, #tpu.memory_space<vmem>> -> memref<1x4096x128xf32, #tpu.memory_space<vmem>>
      %dma_wait3A_117 = tpu.memref_squeeze %dma_wait3A_116 : memref<1x4096x128xf32, #tpu.memory_space<vmem>> -> memref<4096x128xf32, #tpu.memory_space<vmem>>
      %dma_wait3A_118 = arith.constant 0 : i32
      %dma_wait3A_119 = tpu.memref_slice %arg1[%mul3A_103, %dma_wait3A_118] : memref<204800x128xf32, #tpu.memory_space<any>> -> memref<4096x128xf32, #tpu.memory_space<any>>
      tpu.wait_dma2 semaphore(%dma_wait3A_113 : memref<!tpu.dma_semaphore, #tpu.memory_space<semaphore_mem>>) src(%dma_wait3A_119 : memref<4096x128xf32, #tpu.memory_space<any>>) dst(%dma_wait3A_117 : memref<4096x128xf32, #tpu.memory_space<vmem>>)
      %dma_wait3A_120 = tpu.memref_slice %arg10[%rem3A_98] : memref<3x!tpu.dma_semaphore, #tpu.memory_space<semaphore_mem>> -> memref<1x!tpu.dma_semaphore, #tpu.memory_space<semaphore_mem>>
      %dma_wait3A_121 = tpu.memref_squeeze %dma_wait3A_120 : memref<1x!tpu.dma_semaphore, #tpu.memory_space<semaphore_mem>> -> memref<!tpu.dma_semaphore, #tpu.memory_space<semaphore_mem>>
      %dma_wait3A_122 = arith.constant 0 : i32
      %dma_wait3A_123 = tpu.memref_slice %arg6[%rem3A_98, %dma_wait3A_122] : memref<3x4096xf32, #tpu.memory_space<vmem>> -> memref<1x4096xf32, #tpu.memory_space<vmem>>
      %dma_wait3A_124 = tpu.memref_squeeze %dma_wait3A_123 : memref<1x4096xf32, #tpu.memory_space<vmem>> -> memref<4096xf32, #tpu.memory_space<vmem>>
      %dma_wait3A_125 = tpu.memref_slice %arg2[%mul3A_103] : memref<204800xf32, #tpu.memory_space<any>> -> memref<4096xf32, #tpu.memory_space<any>>
      tpu.wait_dma2 semaphore(%dma_wait3A_121 : memref<!tpu.dma_semaphore, #tpu.memory_space<semaphore_mem>>) src(%dma_wait3A_125 : memref<4096xf32, #tpu.memory_space<any>>) dst(%dma_wait3A_124 : memref<4096xf32, #tpu.memory_space<vmem>>)
      %ge3A = arith.constant 3 : i32
      %ge3A_126 = arith.cmpi sge, %scan3A_97, %ge3A : i32
      %convert_element_type3A_127 = arith.extui %ge3A_126 : i1 to i32
      %cond3A_128 = arith.constant 0 : i32
      %cond3A_129 = arith.cmpi ne, %convert_element_type3A_127, %cond3A_128 : i32
      scf.if %cond3A_129 {
        %sub3A_161 = arith.constant 3 : i32
        %sub3A_162 = arith.subi %scan3A_97, %sub3A_161 : i32
        %mul3A_163 = arith.constant 4096 : i32
        %mul3A_164 = arith.muli %sub3A_162, %mul3A_163 : i32
        %dma_wait3A_165 = tpu.memref_slice %arg11[%rem3A_98] : memref<3x!tpu.dma_semaphore, #tpu.memory_space<semaphore_mem>> -> memref<1x!tpu.dma_semaphore, #tpu.memory_space<semaphore_mem>>
        %dma_wait3A_166 = tpu.memref_squeeze %dma_wait3A_165 : memref<1x!tpu.dma_semaphore, #tpu.memory_space<semaphore_mem>> -> memref<!tpu.dma_semaphore, #tpu.memory_space<semaphore_mem>>
        %dma_wait3A_167 = arith.constant 0 : i32
        %dma_wait3A_168 = tpu.memref_slice %arg3[%mul3A_164, %dma_wait3A_167] : memref<204800x128xf32, #tpu.memory_space<any>> -> memref<4096x128xf32, #tpu.memory_space<any>>
        %dma_wait3A_169 = arith.constant 0 : i32
        %dma_wait3A_170 = arith.constant 0 : i32
        %dma_wait3A_171 = tpu.memref_slice %arg7[%rem3A_98, %dma_wait3A_169, %dma_wait3A_170] : memref<3x4096x128xf32, #tpu.memory_space<vmem>> -> memref<1x4096x128xf32, #tpu.memory_space<vmem>>
        %dma_wait3A_172 = tpu.memref_squeeze %dma_wait3A_171 : memref<1x4096x128xf32, #tpu.memory_space<vmem>> -> memref<4096x128xf32, #tpu.memory_space<vmem>>
        tpu.wait_dma2 semaphore(%dma_wait3A_166 : memref<!tpu.dma_semaphore, #tpu.memory_space<semaphore_mem>>) src(%dma_wait3A_172 : memref<4096x128xf32, #tpu.memory_space<vmem>>) dst(%dma_wait3A_168 : memref<4096x128xf32, #tpu.memory_space<any>>)
      } else {
      }
      %get3A = arith.index_cast %rem3A_98 : i32 to index
      %get3A_130 = arith.constant 0 : index
      %get3A_131 = arith.constant 0 : index
      %get3A_132 = vector.load %arg4[%get3A, %get3A_130, %get3A_131] : memref<3x4096x128xf32, #tpu.memory_space<vmem>>, vector<1x4096x128xf32>
      %get3A_133 = vector.shape_cast %get3A_132 : vector<1x4096x128xf32> to vector<4096x128xf32>
      %get3A_134 = arith.index_cast %rem3A_98 : i32 to index
      %get3A_135 = arith.constant 0 : index
      %get3A_136 = arith.constant 0 : index
      %get3A_137 = vector.load %arg5[%get3A_134, %get3A_135, %get3A_136] : memref<3x4096x128xf32, #tpu.memory_space<vmem>>, vector<1x4096x128xf32>
      %get3A_138 = vector.shape_cast %get3A_137 : vector<1x4096x128xf32> to vector<4096x128xf32>
      %get3A_139 = arith.index_cast %rem3A_98 : i32 to index
      %get3A_140 = arith.constant 0 : index
      %get3A_141 = vector.load %arg6[%get3A_139, %get3A_140] : memref<3x4096xf32, #tpu.memory_space<vmem>>, vector<1x4096xf32>
      %get3A_142 = vector.shape_cast %get3A_141 : vector<1x4096xf32> to vector<4096xf32>
      %broadcast_in_dim3A = vector.shape_cast %get3A_142 : vector<4096xf32> to vector<4096x1xf32>
      %mul3A_143 = vector.broadcast %broadcast_in_dim3A : vector<4096x1xf32> to vector<4096x128xf32>
      %mul3A_144 = arith.mulf %get3A_138, %mul3A_143 : vector<4096x128xf32>
      %add3A_145 = arith.addf %get3A_133, %mul3A_144 : vector<4096x128xf32>
      %swap3A = arith.index_cast %rem3A_98 : i32 to index
      %swap3A_146 = arith.constant 0 : index
      %swap3A_147 = arith.constant 0 : index
      %swap3A_148 = vector.load %arg7[%swap3A, %swap3A_146, %swap3A_147] : memref<3x4096x128xf32, #tpu.memory_space<vmem>>, vector<1x4096x128xf32>
      %swap3A_149 = vector.shape_cast %swap3A_148 : vector<1x4096x128xf32> to vector<4096x128xf32>
      %swap3A_150 = vector.shape_cast %add3A_145 : vector<4096x128xf32> to vector<1x4096x128xf32>
      tpu.vector_store %arg7[%swap3A, %swap3A_146, %swap3A_147], %swap3A_150 {strides = array<i32>} : memref<3x4096x128xf32, #tpu.memory_space<vmem>>, vector<1x4096x128xf32>,
      %mul3A_151 = arith.constant 4096 : i32
      %mul3A_152 = arith.muli %scan3A_97, %mul3A_151 : i32
      %dma_start3A_153 = tpu.memref_slice %arg11[%rem3A_98] : memref<3x!tpu.dma_semaphore, #tpu.memory_space<semaphore_mem>> -> memref<1x!tpu.dma_semaphore, #tpu.memory_space<semaphore_mem>>
      %dma_start3A_154 = tpu.memref_squeeze %dma_start3A_153 : memref<1x!tpu.dma_semaphore, #tpu.memory_space<semaphore_mem>> -> memref<!tpu.dma_semaphore, #tpu.memory_space<semaphore_mem>>
      %dma_start3A_155 = arith.constant 0 : i32
      %dma_start3A_156 = tpu.memref_slice %arg3[%mul3A_152, %dma_start3A_155] : memref<204800x128xf32, #tpu.memory_space<any>> -> memref<4096x128xf32, #tpu.memory_space<any>>
      %dma_start3A_157 = arith.constant 0 : i32
      %dma_start3A_158 = arith.constant 0 : i32
      %dma_start3A_159 = tpu.memref_slice %arg7[%rem3A_98, %dma_start3A_157, %dma_start3A_158] : memref<3x4096x128xf32, #tpu.memory_space<vmem>> -> memref<1x4096x128xf32, #tpu.memory_space<vmem>>
      %dma_start3A_160 = tpu.memref_squeeze %dma_start3A_159 : memref<1x4096x128xf32, #tpu.memory_space<vmem>> -> memref<4096x128xf32, #tpu.memory_space<vmem>>
      tpu.enqueue_dma source(%dma_start3A_160 : memref<4096x128xf32, #tpu.memory_space<vmem>>) target(%dma_start3A_156 : memref<4096x128xf32, #tpu.memory_space<any>>) target_semaphore(%dma_start3A_154 : memref<!tpu.dma_semaphore, #tpu.memory_space<semaphore_mem>>)
    }
    %scan3A_64 = arith.constant 50 : i32
    %dma_wait3A = arith.constant 2 : i32
    %dma_wait3A_65 = arith.constant 2 : i32
    %dma_wait3A_66 = tpu.memref_slice %arg11[%dma_wait3A_65] : memref<3x!tpu.dma_semaphore, #tpu.memory_space<semaphore_mem>> -> memref<1x!tpu.dma_semaphore, #tpu.memory_space<semaphore_mem>>
    %dma_wait3A_67 = tpu.memref_squeeze %dma_wait3A_66 : memref<1x!tpu.dma_semaphore, #tpu.memory_space<semaphore_mem>> -> memref<!tpu.dma_semaphore, #tpu.memory_space<semaphore_mem>>
    %dma_wait3A_68 = arith.constant 192512 : i32
    %dma_wait3A_69 = arith.constant 0 : i32
    %dma_wait3A_70 = tpu.memref_slice %arg3[%dma_wait3A_68, %dma_wait3A_69] : memref<204800x128xf32, #tpu.memory_space<any>> -> memref<4096x128xf32, #tpu.memory_space<any>>
    %dma_wait3A_71 = arith.constant 0 : i32
    %dma_wait3A_72 = arith.constant 0 : i32
    %dma_wait3A_73 = tpu.memref_slice %arg7[%dma_wait3A, %dma_wait3A_71, %dma_wait3A_72] : memref<3x4096x128xf32, #tpu.memory_space<vmem>> -> memref<1x4096x128xf32, #tpu.memory_space<vmem>>
    %dma_wait3A_74 = tpu.memref_squeeze %dma_wait3A_73 : memref<1x4096x128xf32, #tpu.memory_space<vmem>> -> memref<4096x128xf32, #tpu.memory_space<vmem>>
    tpu.wait_dma2 semaphore(%dma_wait3A_67 : memref<!tpu.dma_semaphore, #tpu.memory_space<semaphore_mem>>) src(%dma_wait3A_74 : memref<4096x128xf32, #tpu.memory_space<vmem>>) dst(%dma_wait3A_70 : memref<4096x128xf32, #tpu.memory_space<any>>)
    %dma_wait3A_75 = arith.constant 0 : i32
    %dma_wait3A_76 = arith.constant 0 : i32
    %dma_wait3A_77 = tpu.memref_slice %arg11[%dma_wait3A_76] : memref<3x!tpu.dma_semaphore, #tpu.memory_space<semaphore_mem>> -> memref<1x!tpu.dma_semaphore, #tpu.memory_space<semaphore_mem>>
    %dma_wait3A_78 = tpu.memref_squeeze %dma_wait3A_77 : memref<1x!tpu.dma_semaphore, #tpu.memory_space<semaphore_mem>> -> memref<!tpu.dma_semaphore, #tpu.memory_space<semaphore_mem>>
    %dma_wait3A_79 = arith.constant 196608 : i32
    %dma_wait3A_80 = arith.constant 0 : i32
    %dma_wait3A_81 = tpu.memref_slice %arg3[%dma_wait3A_79, %dma_wait3A_80] : memref<204800x128xf32, #tpu.memory_space<any>> -> memref<4096x128xf32, #tpu.memory_space<any>>
    %dma_wait3A_82 = arith.constant 0 : i32
    %dma_wait3A_83 = arith.constant 0 : i32
    %dma_wait3A_84 = tpu.memref_slice %arg7[%dma_wait3A_75, %dma_wait3A_82, %dma_wait3A_83] : memref<3x4096x128xf32, #tpu.memory_space<vmem>> -> memref<1x4096x128xf32, #tpu.memory_space<vmem>>
    %dma_wait3A_85 = tpu.memref_squeeze %dma_wait3A_84 : memref<1x4096x128xf32, #tpu.memory_space<vmem>> -> memref<4096x128xf32, #tpu.memory_space<vmem>>
    tpu.wait_dma2 semaphore(%dma_wait3A_78 : memref<!tpu.dma_semaphore, #tpu.memory_space<semaphore_mem>>) src(%dma_wait3A_85 : memref<4096x128xf32, #tpu.memory_space<vmem>>) dst(%dma_wait3A_81 : memref<4096x128xf32, #tpu.memory_space<any>>)
    %dma_wait3A_86 = arith.constant 1 : i32
    %dma_wait3A_87 = arith.constant 1 : i32
    %dma_wait3A_88 = tpu.memref_slice %arg11[%dma_wait3A_87] : memref<3x!tpu.dma_semaphore, #tpu.memory_space<semaphore_mem>> -> memref<1x!tpu.dma_semaphore, #tpu.memory_space<semaphore_mem>>
    %dma_wait3A_89 = tpu.memref_squeeze %dma_wait3A_88 : memref<1x!tpu.dma_semaphore, #tpu.memory_space<semaphore_mem>> -> memref<!tpu.dma_semaphore, #tpu.memory_space<semaphore_mem>>
    %dma_wait3A_90 = arith.constant 200704 : i32
    %dma_wait3A_91 = arith.constant 0 : i32
    %dma_wait3A_92 = tpu.memref_slice %arg3[%dma_wait3A_90, %dma_wait3A_91] : memref<204800x128xf32, #tpu.memory_space<any>> -> memref<4096x128xf32, #tpu.memory_space<any>>
    %dma_wait3A_93 = arith.constant 0 : i32
    %dma_wait3A_94 = arith.constant 0 : i32
    %dma_wait3A_95 = tpu.memref_slice %arg7[%dma_wait3A_86, %dma_wait3A_93, %dma_wait3A_94] : memref<3x4096x128xf32, #tpu.memory_space<vmem>> -> memref<1x4096x128xf32, #tpu.memory_space<vmem>>
    %dma_wait3A_96 = tpu.memref_squeeze %dma_wait3A_95 : memref<1x4096x128xf32, #tpu.memory_space<vmem>> -> memref<4096x128xf32, #tpu.memory_space<vmem>>
    tpu.wait_dma2 semaphore(%dma_wait3A_89 : memref<!tpu.dma_semaphore, #tpu.memory_space<semaphore_mem>>) src(%dma_wait3A_96 : memref<4096x128xf32, #tpu.memory_space<vmem>>) dst(%dma_wait3A_92 : memref<4096x128xf32, #tpu.memory_space<any>>)
    return
  }
}

</mosaic_0001>

<sc_bundles>
// kernel: kernel.4.cloned.1.call-start
scs
__scs_entry_jumppad:
0x0: {  	(pc) =	sbr.rel $0x88, $3  }
0x1: {  	(tag) =	ssettag $0x0;
	lr =	simm.s32 $0x1  }
0x2: {  	[smem:$0x3F9B] =	sst lr;
	_ =	strace $0xD0000000  }
0x3: {  	_ = 	snop  }
0x4: {  	_ = 	snop  }
0x5: {  	_ = 	snop  }
0x6: {  	_ = 	snop  }
0x7: {  	_ = 	snop  }
__scs_overlays_trampoline_lowered:
0x8: {  	[smem:$0x3FAA] =	sst s0  }
0x9: {  	[smem:$0x3FAB] =	sst s1  }
0xa: {  	[smem:$0x3FAC] =	sst s2  }
0xb: {  	[smem:$0x3FAD] =	sst s3  }
0xc: {  	[smem:$0x3FAE] =	sst s4  }
0xd: {  	[smem:$0x3FAF] =	sst s5  }
0xe: {  	[smem:$0x3FB0] =	sst s6  }
0xf: {  	[smem:$0x3FB1] =	sst s7  }
0x10: {  	[smem:$0x3FB2] =	sst s8  }
0x11: {  	[smem:$0x3FB3] =	sst s9;
	s0 =	simm.s32 @!p0 $0x0  }
0x12: {  	s1 =	sld [smem:$0x3F99];
	s0 =	simm.s32 @p0 $0x1  }
0x13: {  	[smem:$0x3FB4] =	sst s0;
	s0 =	simm.s32 @!p1 $0x0  }
0x14: {  	s2 =	sld [smem:$0x3F98];
	s0 =	simm.s32 @p1 $0x1  }
0x15: {  	[smem:$0x3FB5] =	sst s0;
	s0 =	simm.s32 @!p2 $0x0  }
0x16: {  	s3 =	sld [smem:$0x3FDB];
	s0 =	simm.s32 @p2 $0x1  }
0x17: {  	s4 =	simm.s32 $0x1BF5;
	[smem:$0x3FB7] =	sst s0  }
0x18: {  	s0 =	sld [smem:$0x3F9A];
	_ =	swait.ge [sflag:s4], $0x0  }
0x19: {  	s7 =	sld [smem:$0x3F9B]  }
0x1a: {  	s8 =	sadd.s32 $0xFFFFE003, lr  }
0x1b: {  	s9 =	sadd.s32 $0xFFFFFEF7, lr;
	s5 =	simm.s32 $0xFFFFFFFF;
	p2 =	slt.u32 s8, $0xFFFFF086  }
0x1c: {  	p1 =	slt.u32 s9, $0xF7A;
	s5 =	simm.s32 @!p2 $0x0  }
0x1d: {  	s5 =	simm.s32 @p1 $0x1;
	p0 =	seq.s32 s7, s2  }
0x1e: {  	s7 =	smul.u32 @!p0 $0xF7A, s2;
	p2 =	seq.s32 @!p0 s5, $0x0  }
0x1f: {  	s9 =	smul.u32 $0xF7A, s1;
	s8 =	simm.s32 @!p0 $0x1BF5;
	p2 =	por !p2, p0  }
0x20: {  	[sflag:s8] =	ssyncset.s32 @!p0 $0xFFFFF086;
	s6 =	sadd.s32 @!p0 s3, s7;
	s7 =	simm.s32 @!p0 $0x108  }
0x21: {  	s3 =	sadd.s32 s3, s9;
	s6 =	sadd.s32 @!p0 $0x88, s6;
	s7 =	simm.s32 @p2 $0x1082  }
0x22: {  	[simem:s7], [sflag:s8] =	dma.local @!p0 [hbm:s6], $0xF7A  }
0x23: {  	s9 =	sor.u32 $0xD0000000, s2;
	s6 =	simm.s32 $0x108;
	_ =	swait.ge @!p0 [sflag:s8], $0x0  }
0x24: {  	s3 =	sadd.s32 $0x88, s3;
	s6 =	simm.s32 @!p1 $0x1082;
	[sflag:s4] =	ssyncset.s32 $0xFFFFF086  }
0x25: {  	[simem:s6], [sflag:s4] =	dma.local [hbm:s3], $0xF7A  }
0x26: {  	[smem:$0x3F9B] =	sst s1;
	(tag) =	ssettag s2;
	_ =	strace s9  }
0x27: {  	s1 =	sld [smem:$0x3FAB]  }
0x28: {  	s2 =	sld [smem:$0x3FAC]  }
0x29: {  	s4 =	sld [smem:$0x3FAE]  }
0x2a: {  	p0 =	seq.s32 s5, $0x0;
	s5 =	sld [smem:$0x3FAF]  }
0x2b: {  	s6 =	sld [smem:$0x3FB0]  }
0x2c: {  	s7 =	sld [smem:$0x3FB1]  }
0x2d: {  	s3 =	simm.s32 $0x108;
	s8 =	sld [smem:$0x3FB2]  }
0x2e: {  	s3 =	simm.s32 @!p0 $0x1082;
	s9 =	sld [smem:$0x3FB3]  }
0x2f: {  	lr =	sadd.s32 s0, s3;
	s0 =	sld [smem:$0x3FAA]  }
0x30: {  	s3 =	sld [smem:$0x3FAD]  }
0x31: {  	[smem:$0x3FB6] =	sst s10  }
0x32: {  	s10 =	sld [smem:$0x3FB4];
	_ =	sdelay $0x3  }
0x33: {  	p0 =	seq.s32 s10, $0x1;
	s10 =	sld [smem:$0x3FB6];
	_ =	sdelay $0x3  }
0x34: {  	[smem:$0x3FB6] =	sst s10  }
0x35: {  	s10 =	sld [smem:$0x3FB5];
	_ =	sdelay $0x3  }
0x36: {  	p1 =	seq.s32 s10, $0x1;
	s10 =	sld [smem:$0x3FB6];
	_ =	sdelay $0x3  }
0x37: {  	[smem:$0x3FB6] =	sst s10  }
0x38: {  	s10 =	sld [smem:$0x3FB7]  }
0x39: {  	_ = 	snop;
	(pc) =	sbr.ind lr, $3  }
0x3a: {  	_ = 	snop  }
0x3b: {  	_ = 	snop  }
0x3c: {  	p2 =	seq.s32 s10, $0x1;
	s10 =	sld [smem:$0x3FB6]  }
0x3d: {  	_ =	shalt  }
0x3e: {  	_ =	shalt  }
0x3f: {  	_ =	shalt  }
0x40: {  	_ =	shalt  }
0x41: {  	_ =	shalt  }
0x42: {  	_ =	shalt  }
0x43: {  	_ =	shalt  }
0x44: {  	_ =	shalt  }
0x45: {  	_ =	shalt  }
0x46: {  	_ =	shalt  }
0x47: {  	_ =	shalt  }
0x48: {  	_ =	shalt  }
0x49: {  	_ =	shalt  }
0x4a: {  	_ =	shalt  }
0x4b: {  	_ =	shalt  }
0x4c: {  	_ =	shalt  }
0x4d: {  	_ =	shalt  }
0x4e: {  	_ =	shalt  }
0x4f: {  	_ =	shalt  }
0x50: {  	_ =	shalt  }
0x51: {  	_ =	shalt  }
0x52: {  	_ =	shalt  }
0x53: {  	_ =	shalt  }
0x54: {  	_ =	shalt  }
0x55: {  	_ =	shalt  }
0x56: {  	_ =	shalt  }
0x57: {  	_ =	shalt  }
0x58: {  	_ =	shalt  }
0x59: {  	_ =	shalt  }
0x5a: {  	_ =	shalt  }
0x5b: {  	_ =	shalt  }
0x5c: {  	_ =	shalt  }
0x5d: {  	_ =	shalt  }
0x5e: {  	_ =	shalt  }
0x5f: {  	_ =	shalt  }
0x60: {  	_ =	shalt  }
0x61: {  	_ =	shalt  }
0x62: {  	_ =	shalt  }
0x63: {  	_ =	shalt  }
0x64: {  	_ =	shalt  }
0x65: {  	_ =	shalt  }
0x66: {  	_ =	shalt  }
0x67: {  	_ =	shalt  }
0x68: {  	_ =	shalt  }
0x69: {  	_ =	shalt  }
0x6a: {  	_ =	shalt  }
0x6b: {  	_ =	shalt  }
0x6c: {  	_ =	shalt  }
0x6d: {  	_ =	shalt  }
0x6e: {  	_ =	shalt  }
0x6f: {  	_ =	shalt  }
0x70: {  	_ =	shalt  }
0x71: {  	_ =	shalt  }
0x72: {  	_ =	shalt  }
0x73: {  	_ =	shalt  }
0x74: {  	_ =	shalt  }
0x75: {  	_ =	shalt  }
0x76: {  	_ =	shalt  }
0x77: {  	_ =	shalt  }
0x78: {  	_ =	shalt  }
0x79: {  	_ =	shalt  }
0x7a: {  	_ =	shalt  }
0x7b: {  	_ =	shalt  }
0x7c: {  	_ =	shalt  }
0x7d: {  	_ =	shalt  }
0x7e: {  	_ =	shalt  }
0x7f: {  	_ =	shalt  }
0x80: {  	_ =	shalt  }
0x81: {  	_ =	shalt  }
0x82: {  	_ =	shalt  }
0x83: {  	_ =	shalt  }
0x84: {  	_ =	shalt  }
0x85: {  	_ =	shalt  }
0x86: {  	_ =	shalt  }
0x87: {  	_ =	shalt  }
.Lfunc_end0:
.L_simem_size_0:
called_computation_lowered:
.L_overlay_start_0:
0x88: {  	s2 =	sld [smem:$0x3FD9]  }
0x89: {  	s3 =	sld [smem:$0x3FFE];
	_ =	sdelay $0x1  }
0x8a: {  	s1 =	srdreg.scid  }
0x8b: {  	s0 =	sand.u32 $0x1, s1  }
0x8c: {  	s17 =	sshll.u32 s0, $0xA;
	s2 =	sadd.s32 s3, s2  }
0x8d: {  	s2 =	sadd.s32 s2, s17  }
0x8e: {  	[smem:$0x3FC2] =	sst s2  }
0x8f: {  	_ = 	snop  }
0x90: {  	s2 =	sld [smem:$0x3FD0];
	(tm) =	ssettm $0x1  }
0x91: {  	s18 =	sld [smem:$0x3FFB];
	_ =	sdelay $0x3  }
0x92: {  	_ =	strace s18  }
0x93: {  	s3 =	sld [smem:$0x3FFC];
	_ =	sdelay $0x3  }
0x94: {  	_ =	strace s3  }
0x95: {  	s3 =	sld [smem:$0x3FFD];
	_ =	sdelay $0x3  }
0x96: {  	_ =	strace s3  }
0x97: {  	_ =	strace $0x8FFFFFFF  }
0x98: {  	s19 =	sld [smem:$0x3FDB];
	_ =	sdelay $0x1  }
0x99: {  	s4 =	simm.s32 $_scs_section_size  }
0x9a: {  	s5 =	simm.s32 $_size__tile_overlayer_lowered;
	s6 =	simm.s32 $_tile_overlayer_lowered  }
0x9b: {  	s22 =	simm.s32 $0x1BFF;
	s21 =	sshll.u32 s6, $0x1;
	s3 =	sadd.s32 s4, s19  }
0x9c: {  	s7 =	simm.s32 $0x0;
	s20 =	sshll.u32 s5, $0x1;
	s5 =	sadd.s32 s21, s3  }
0x9d: {  	[timem:s7], [sflag:s22] =	dma.local [hbm:s5], s20  }
0x9e: {  	_ =	swait.ge [sflag:s22], s20  }
0x9f: {  	s4 =	ssub.s32 $0x0, s20;
	[sflag:s22] =	ssyncset.done $0x0  }
0xa0: {  	[sflag:s22] =	ssyncadd.s32 s4;
	_ =	sdelay $0x1  }
0xa1: {  	s23 =	simm.s32 $0x1B8B  }
0xa2: {  	_ =	swait.ge [sflag:s23], $0x1  }
0xa3: {  	[sflag:s23] =	ssyncset.done $0x0  }
0xa4: {  	s25 =	simm.s32 $0x1B8E;
	s24 =	sld [smem:$0x3FFE];
	[sflag:s23] =	ssyncadd.s32 $0xFFFFFFFF  }
0xa5: {  	s26 =	simm.s32 $execute0_lowered;
	[smem:$0x3FD2] =	sst s25  }
0xa6: {  	s5 =	sshll.u32 s26, $0x1;
	_ =	strace $0x80000046;
	[dreg:$0x1] =	wrdreg $0xFFFFFFFF  }
0xa7: {  	s28 =	simm.s32 $_size_execute0_lowered;
	s3 =	sadd.s32 s3, s5;
	[dreg:$0x0] =	wrdreg $0x0  }
0xa8: {  	s5 =	sshll.u32 s28, $0x1;
	[dreg:$0x2] =	wrdreg s3  }
0xa9: {  	[dreg:$0x3] =	wrdreg s5  }
0xaa: {  	[dreg:$0x4] =	wrdreg $0xC0  }
0xab: {  	_ =	task [dreg:s7], $0x5FFFF  }
0xac: {  	[dreg:$0x1] =	wrdreg $0xFFFFFFFF  }
0xad: {  	[dreg:$0x0] =	wrdreg $0x60  }
0xae: {  	[dreg:$0x2] =	wrdreg s24  }
0xaf: {  	[dreg:$0x3] =	wrdreg s2  }
0xb0: {  	[dreg:$0x4] =	wrdreg $0x9  }
0xb1: {  	_ =	task.clear_ibuf [dreg:s7], $0x5FFFF;
	_ =	strace $0x90000046  }
0xb2: {  	s29 =	simm.s32 $0x9;
	_ =	strace $0x80000048  }
0xb3: {  	_ =	swait.ge [sflag:s29], $0x1  }
0xb4: {  	[sflag:s29] =	ssyncadd.s32 $0xFFFFFFFF  }
0xb5: {  	_ =	strace $0x90000048  }
0xb6: {  	_ =	sfence  }
0xb7: {  	s30 =	sld [smem:$0x0];
	_ =	sdelay $0x2  }
0xb8: {  	s31 =	sshll.u32 s1, $0xD;
	s1 =	sshrl.u32 s1, $0x2  }
0xb9: {  	s3 =	sand.u32 $0x4000, s31;
	s1 =	sadd.s32 s1, s30  }
0xba: {  	s0 =	sor.u32 s3, s0;
	s1 =	sshll.u32 s1, $0x11  }
0xbb: {  	s0 =	sor.u32 s1, s0  }
0xbc: {  	s0 =	sadd.s32 $0x8F2B, s0  }
0xbd: {  	[sflag:s0] =	ssyncadd.remote.s32 $0x1  }
0xbe: {  	_ =	sfence.sel $0xFFFF  }
0xbf: {  	[dreg:$0x0] =	wrdreg $0xFFFFFFFF;
	(pc) =	sbr.abs _section_cstart, $3  }
0xc0: {  	[dreg:$0x1] =	wrdreg $0xFFFFFFFF  }
0xc1: {  	_ =	task.clear_ibuf [dreg:s7], $0x2FFFF;
	_ =	strace $0x9FFFFFFF  }
0xc2: {  	(tm) =	ssettm $0x7FFFFFFF  }
0xc3: {  	_ =	shalt  }
tec
execute0_lowered:
.L_overlay_start_1:
0x0: {  	(tag) =	ssettag $0x1  }
0x1: {  	s0 =	srdreg.scid;
	s2 =	stileid.u32  }
0x2: {  	s0 =	sand.u32 $0x1, s0;
	s2 =	sshll.u32 s2, $0x1  }
0x3: {  	s2 =	sor.u32 s0, s2;
	s0 =	ssub.s32 $0x2, s0  }
0x4: {  	s2 =	smul.u32 $0x320, s2;
	s28 =	sshrl.u32 s0, $0x1  }
0x5: {  	s1 =	rddreg [dreg:$0x0];
	s3 =	simm.s32 $0x0;
	v0 =	vimm.s32 $0xECA86420;
	vm0 =	vcmask $0xB08;
	vm1 =	vcmask $0x1310;
	s0 =	ssub.s32 s0, s28  }
0x6: {  	vm2 =	vcmask $0x1B18;
	vm3 =	vcmask $0x300;
	vm4 =	vcmask $0x2320;
	[smem:$0x7FF] =	sst s3;
	s1 =	sadd.s32 s2, s1;
	s0 =	smax.u32 s0, $0x1  }
0x7: {  	vm5 =	vcmask $0x2B28;
	vm6 =	vcmask $0x3330;
	_ =	strace $0x80000047;
	s29 =	sadd.s32 $0x600, s1;
	[smem:$0x7FD] =	sst s0  }
0x8: {  	vm7 =	vcmask $0x3B38;
	v1 =	vlaneseq.u32;
	vm8 =	vmmov $0xff;
	s30 =	sadd.s32 $0x6A00, s1;
	[smem:$0x7F9] =	sst s29  }
0x9: {  	vm12 =	vcmask $0x1714;
	vm13 =	vcmask $0x1F1C;
	v0 =	vunpack.c.l.s4.s8 v0;
	s31 =	sadd.s32 $0xCE00, s1;
	[smem:$0x7FA] =	sst s30  }
0xa: {  	vm14 =	vcmask $0x2724;
	vm15 =	vcmask $0x2F2C;
	vm10 =	vcmask $0x3734;
	s1 =	sadd.s32 $0x13200, s1;
	[smem:$0x7FB] =	sst s31  }
0xb: {  	vm11 =	vcmask $0xF0C;
	v1 =	vmul.u32 $0x2, v1;
	v0 =	vunpack.c.0.s8.s32 v0;
	s2 =	simm.s32 $0x0;
	[smem:$0x7FC] =	sst s1  }
.LBB2_1:
0xc: {  	s0 =	sld [smem:$0x7F9];
	_ =	sdelay $0x1  }
0xd: {  	s16 =	sld [smem:$0x7FA]  }
0xe: {  	[tilespmem:s3], [sflag:$0x1] =	stream.linear.gather [hbm4b:s0+s3], $0x1900, $0x38;
	[tilespmem:$0x7D00] =	vst v63  }
0xf: {  	s1 =	simm.s32 $0x1900;
	s17 =	sld [smem:$0x7FB]  }
0x10: {  	[tilespmem:s1], [sflag:$0x1] =	stream.linear.gather [hbm4b:s16+s3], $0x1900, $0x38;
	[tilespmem:$0x7D00] =	vst v63  }
0x11: {  	[smem:$0x7F7] =	sst s2;
	s18 =	simm.s32 $0x3200;
	s19 =	simm.s32 $0x1  }
0x12: {  	[tilespmem:s18], [sflag:$0x1] =	stream.linear.gather [hbm4b:s17+s3], $0x1900, $0x38;
	[tilespmem:$0x7D00] =	vst v63  }
0x13: {  	_ =	swait.ge [sflag:s19], $0x1900  }
0x14: {  	[sflag:s19] =	ssyncset.done $0x0  }
0x15: {  	[sflag:s19] =	ssyncadd.s32 $0xFFFFE700  }
0x16: {  	_ =	swait.ge [sflag:s19], $0x1900  }
0x17: {  	[sflag:s19] =	ssyncset.done $0x0  }
0x18: {  	[sflag:s19] =	ssyncadd.s32 $0xFFFFE700  }
0x19: {  	_ =	swait.ge [sflag:s19], $0x1900  }
0x1a: {  	[sflag:s19] =	ssyncset.done $0x0  }
0x1b: {  	s15 =	simm.s32 $0x0;
	[sflag:s19] =	ssyncadd.s32 $0xFFFFE700  }
0x1c: {  	v2 =	vld [tilespmem:s15+$0x1900];
	_ =	sdelay $0x4  }
0x1d: {  	v2 =	vadd.s32 $0xFFFFFFD8, v2  }
0x1e: {  	(v2sf) =	vpush v2, $0x4  }
0x1f: {  	(v2sf) =	vpush v2, $0x3;
	_ =	sdelay $0x1  }
0x20: {  	(v2sf) =	vpush v2, $0x2;
	_ =	sdelay $0x1  }
0x21: {  	(v2sf) =	vpush v2, $0x1;
	_ =	sdelay $0x2  }
0x22: {  	(v2sf) =	vpush v2, $0x0  }
0x23: {  	(v2sf) =	vpush v2, $0x7  }
0x24: {  	(v2sf) =	vpush v2, $0xF;
	_ =	sdelay $0x1  }
0x25: {  	(v2sf) =	vpush v2, $0xC;
	_ =	sdelay $0x1  }
0x26: {  	(v2sf) =	vpush v2, $0x8  }
0x27: {  	s20 =	spop (v2sf)  }
0x28: {  	(v2sf) =	vpush v2, $0x5;
	s21 =	spop (v2sf);
	s0 =	smulhi.u32 $0x66666667, s20  }
0x29: {  	s1 =	sshra.s32 s20, $0x1F;
	s5 =	smulhi.u32 $0x66666667, s21  }
0x2a: {  	s22 =	spop (v2sf);
	s1 =	smul.u32 $0x66666667, s1  }
0x2b: {  	s2 =	sshra.s32 s21, $0x1F;
	s6 =	smulhi.u32 $0x66666667, s22  }
0x2c: {  	s4 =	spop (v2sf);
	s2 =	smul.u32 $0x66666667, s2  }
0x2d: {  	(v2sf) =	vpush v2, $0xD;
	s3 =	sshra.s32 s22, $0x1F;
	s9 =	smulhi.u32 $0x66666667, s4  }
0x2e: {  	(v2sf) =	vpush v2, $0x9;
	s3 =	smul.u32 $0x66666667, s3;
	s4 =	sshra.s32 s4, $0x1F  }
0x2f: {  	(v2sf) =	vpush v2, $0xA;
	s8 =	spop (v2sf);
	s13 =	smul.u32 $0x66666667, s4  }
0x30: {  	(v2sf) =	vpush v2, $0xE;
	s10 =	spop (v2sf);
	s17 =	sshra.s32 s8, $0x1F;
	s8 =	smulhi.u32 $0x66666667, s8  }
0x31: {  	s11 =	spop (v2sf);
	s16 =	smulhi.u32 $0x66666667, s10  }
0x32: {  	s2 =	sadd.s32 s2, s5;
	s10 =	sshra.s32 s10, $0x1F;
	s7 =	smulhi.u32 $0x66666667, s11  }
0x33: {  	s12 =	spop (v2sf);
	s19 =	smul.u32 $0x66666667, s10;
	s24 =	sshra.s32 s11, $0x1F  }
0x34: {  	s11 =	sadd.s32 s3, s6;
	s9 =	sadd.s32 s13, s9;
	s10 =	simm.s32 $0x10  }
0x35: {  	s14 =	spop (v2sf);
	s18 =	smulhi.u32 $0x66666667, s12;
	s21 =	sshra.s32 s12, $0x1F  }
0x36: {  	s3 =	smul.u32 $0x66666667, s24;
	s24 =	sshra.s32 s11, $0x1;
	[dreg:$0x17] =	wrdreg s7  }
0x37: {  	s23 =	spop (v2sf);
	s25 =	sshra.s32 s14, $0x1F;
	s14 =	smulhi.u32 $0x66666667, s14  }
0x38: {  	(v2sf) =	vpush v2, $0xB;
	s30 =	sshra.s32 s9, $0x1;
	[dreg:$0x1d] =	wrdreg s24;
	s4 =	smulhi.u32 $0x66666667, s23  }
0x39: {  	s7 =	sshra.s32 s23, $0x1F;
	s23 =	sshra.s32 s9, $0x1F;
	s6 =	smul.u32 $0x66666667, s25  }
0x3a: {  	(v2sf) =	vpush v2, $0x6;
	s5 =	sshra.s32 s11, $0x1F;
	s7 =	smul.u32 $0x66666667, s7;
	[smem:$0x7F8] =	sst s23  }
0x3b: {  	s23 =	smul.u32 $0x66666667, s17;
	s17 =	sadd.s32 s19, s16;
	s16 =	sshrl.u32 s11, $0x1F  }
0x3c: {  	s11 =	sshra.s32 s2, $0x1F;
	s14 =	sadd.s32 s6, s14;
	s20 =	spop (v2sf)  }
0x3d: {  	s6 =	sshrl.u32 s9, $0x1F;
	[dreg:$0x11] =	wrdreg s11;
	s22 =	spop (v2sf)  }
0x3e: {  	v5 =	vld [tilespmem:s15+$0x3200];
	s15 =	sshra.s32 s17, $0x1;
	s24 =	sadd.s32 s23, s8;
	s26 =	spop (v2sf)  }
0x3f: {  	s9 =	sshra.s32 s24, $0x1F;
	s13 =	smulhi.u32 $0x66666667, s26;
	s25 =	spop (v2sf)  }
0x40: {  	v3 =	vld [tilespmem:s10+$0x1900];
	s11 =	sshra.s32 s20, $0x1F;
	s12 =	sshra.s32 s26, $0x1F;
	s8 =	smulhi.u32 $0x66666667, s25  }
0x41: {  	s26 =	smul.u32 $0x66666667, s12;
	s28 =	sshra.s32 s25, $0x1F;
	s12 =	sadd.s32 s1, s0  }
0x42: {  	s25 =	smulhi.u32 $0x66666667, s20;
	s20 =	sshra.s32 s22, $0x1F;
	s0 =	sshra.s32 s24, $0x1  }
0x43: {  	s1 =	sshrl.u32 s24, $0x1F;
	s24 =	smulhi.u32 $0x66666667, s22;
	s22 =	sshra.s32 s17, $0x1F  }
0x44: {  	s19 =	sshrl.u32 s2, $0x1F;
	[dreg:$0xc] =	wrdreg s15;
	v4 =	vmov s22;
	s22 =	sshra.s32 s14, $0x1  }
0x45: {  	v3 =	vadd.s32 $0xFFFFFFD8, v3;
	s23 =	sadd.s32 s26, s13;
	s13 =	sshra.s32 s2, $0x1;
	s26 =	smul.u32 $0x66666667, s20  }
0x46: {  	(v2sf) =	vpush v3, $0x4;
	s20 =	sshrl.u32 s14, $0x1F;
	s14 =	simm.s32 $0x0;
	[dreg:$0x1a] =	wrdreg s13  }
0x47: {  	vm9 =	vcmask $0x704;
	(v2sf) =	vpush v3, $0x3;
	v4 =	vsel vm3, s0, v4;
	s2 =	simm.s32 $0x80;
	s13 =	spop (v2sf);
	[dreg:$0x4] =	wrdreg s14  }
0x48: {  	(v2sf) =	vpush v3, $0x2;
	v4 =	vsel vm9, s9, v4;
	s14 =	sshra.s32 s12, $0x1;
	s31 =	sshra.s32 s23, $0x1;
	s29 =	sshra.s32 s13, $0x1F  }
0x49: {  	v6 =	vmov s1;
	(v2sf) =	vpush v3, $0x1;
	s0 =	smulhi.u32 $0x66666667, s13;
	s1 =	spop (v2sf);
	v7 =	vsel vm0, s30, v4;
	s30 =	simm.s32 $0x10  }
0x4a: {  	v6 =	vnsel vm3, $0x0, v6;
	s13 =	sshra.s32 s12, $0x1F;
	v4 =	vld [tilespmem:s10+$0x3200];
	(v2sf) =	vpush v3, $0x0;
	[dreg:$0x7] =	wrdreg s30;
	s9 =	sshra.s32 s1, $0x1F  }
.LBB2_2:
0x4b: {  	s30 =	sshrl.u32 s23, $0x1F;
	s10 =	rddreg [dreg:$0x4]  }
0x4c: {  	s7 =	sadd.s32 s7, s4;
	s4 =	smul.u32 $0x66666667, s21;
	s21 =	rddreg [dreg:$0x17]  }
0x4d: {  	s29 =	smul.u32 $0x66666667, s29;
	s23 =	smov.u32 s2;
	v6 =	vsel vm0, s6, v6;
	s6 =	rddreg [dreg:$0x1d]  }
0x4e: {  	s12 =	sshrl.u32 s12, $0x1F;
	s9 =	smul.u32 $0x66666667, s9;
	[smem:$0x7F6] =	sst s23  }
0x4f: {  	s11 =	smul.u32 $0x66666667, s11;
	s23 =	smov.u32 s10;
	s10 =	rddreg [dreg:$0x7]  }
0x50: {  	s1 =	smulhi.u32 $0x66666667, s1;
	p0 =	sne.s32 s2, $0x18C0;
	s15 =	smov.u32 s10  }
0x51: {  	(v2sf) =	vpush v3, $0x7;
	s3 =	sadd.s32 s3, s21;
	s24 =	sadd.s32 s26, s24;
	[dreg:$0x4] =	wrdreg s15  }
0x52: {  	s21 =	sadd.s32 s29, s0;
	s29 =	sshrl.u32 s7, $0x1F;
	s15 =	sld [smem:$0x7F8]  }
0x53: {  	(v2sf) =	vpush v3, $0xF;
	s4 =	sadd.s32 s4, s18;
	s0 =	sshrl.u32 s17, $0x1F;
	s17 =	smul.u32 $0x66666667, s28  }
0x54: {  	s1 =	sadd.s32 s9, s1;
	s9 =	sshra.s32 s7, $0x1;
	s7 =	sshra.s32 s7, $0x1F  }
0x55: {  	v6 =	vsel vm1, s16, v6;
	(v2sf) =	vpush v3, $0xC;
	s16 =	sshra.s32 s3, $0x1;
	s10 =	sshrl.u32 s4, $0x1F;
	s4 =	sshra.s32 s4, $0x1;
	v7 =	vsel vm11, s15, v7  }
0x56: {  	(v2sf) =	vpush v3, $0x8;
	s26 =	sshra.s32 s21, $0x1;
	s8 =	sadd.s32 s17, s8;
	v10 =	vmov s4;
	s4 =	sshra.s32 s1, $0x1F;
	v7 =	vsel vm1, s6, v7  }
0x57: {  	v9 =	vmov s22;
	v6 =	vsel vm2, s19, v6;
	s17 =	sshrl.u32 s1, $0x1F;
	v7 =	vsel vm12, s5, v7;
	s5 =	sadd.s32 s11, s25;
	s25 =	sshra.s32 s24, $0x1  }
0x58: {  	(v2sf) =	vpush v3, $0x5;
	v8 =	vmov s10;
	s15 =	sshrl.u32 s21, $0x1F;
	s21 =	rddreg [dreg:$0x1a];
	v9 =	vsel vm0, s25, v9;
	s10 =	spop (v2sf)  }
0x59: {  	v11 =	vmov s20;
	v6 =	vsel vm4, s12, v6;
	s6 =	sshrl.u32 s24, $0x1F;
	s18 =	sshrl.u32 s5, $0x1F;
	v9 =	vsel vm1, s31, v9;
	s12 =	smulhi.u32 $0x66666667, s10  }
0x5a: {  	(v2sf) =	vpush v3, $0xD;
	v11 =	vsel vm0, s6, v11;
	s5 =	sshra.s32 s5, $0x1;
	s22 =	spop (v2sf);
	v9 =	vsel vm2, s26, v9;
	s26 =	rddreg [dreg:$0x11]  }
0x5b: {  	s11 =	sshrl.u32 s3, $0x1F;
	v11 =	vsel vm1, s30, v11;
	v10 =	vsel vm0, s5, v10;
	s5 =	smulhi.u32 $0x66666667, s22;
	s25 =	spop (v2sf)  }
0x5c: {  	s24 =	sshrl.u32 s8, $0x1F;
	v7 =	vsel vm2, s21, v7;
	v8 =	vsel vm0, s18, v8;
	v11 =	vsel vm2, s15, v11;
	s15 =	smulhi.u32 $0x66666667, s25;
	s19 =	spop (v2sf)  }
0x5d: {  	(v2sf) =	vpush v3, $0x9;
	s8 =	sshra.s32 s8, $0x1;
	v8 =	vsel vm1, s24, v8;
	v7 =	vsel vm13, s26, v7;
	s30 =	sshra.s32 s25, $0x1F;
	s20 =	smulhi.u32 $0x66666667, s19  }
0x5e: {  	v8 =	vsel vm2, s11, v8;
	s11 =	sshra.s32 s1, $0x1;
	s26 =	sshra.s32 s10, $0x1F;
	v7 =	vsel vm4, s14, v7;
	s18 =	smul.u32 $0x66666667, s30  }
0x5f: {  	s3 =	spop (v2sf);
	v7 =	vsel vm14, s13, v7;
	s14 =	sshra.s32 s19, $0x1F;
	s13 =	smul.u32 $0x66666667, s26  }
0x60: {  	v6 =	vsel vm5, s29, v6;
	v10 =	vsel vm1, s8, v10;
	s21 =	spop (v2sf);
	s8 =	sadd.s32 s18, s15;
	s18 =	smul.u32 $0x66666667, s14  }
0x61: {  	v6 =	vsel vm6, s17, v6;
	s17 =	sshra.s32 s22, $0x1F;
	s1 =	sshra.s32 s3, $0x1F;
	v7 =	vsel vm5, s9, v7;
	s19 =	smulhi.u32 $0x66666667, s21  }
0x62: {  	s30 =	sadd.s32 $0x40, s2;
	s24 =	spop (v2sf);
	v7 =	vsel vm15, s7, v7;
	s1 =	smul.u32 $0x66666667, s1  }
0x63: {  	v6 =	vsel vm7, s0, v6;
	(v2sf) =	vpush v3, $0xA;
	s22 =	sshra.s32 s21, $0x1F;
	s12 =	sadd.s32 s13, s12;
	s25 =	smulhi.u32 $0x66666667, s24;
	v7 =	vsel vm6, s11, v7  }
0x64: {  	v10 =	vsel vm2, s16, v10;
	v8 =	vcombine.low v11, v8;
	s0 =	sshra.s32 s24, $0x1F;
	s15 =	spop (v2sf);
	s24 =	rddreg [dreg:$0xc];
	v7 =	vsel vm10, s4, v7  }
0x65: {  	v9 =	vcombine.low v9, v10;
	(v2sf) =	vpush v3, $0xE;
	s16 =	spop (v2sf);
	v7 =	vsel vm7, s24, v7;
	s24 =	sadd.s32 s18, s20;
	s18 =	smulhi.u32 $0x66666667, s15  }
0x66: {  	v6 =	vperm.xlane v6, v1;
	v8 =	vperm.xlane v8, v0;
	s21 =	sshra.s32 s15, $0x1F;
	[dreg:$0x17] =	wrdreg s25;
	s15 =	smul.u32 $0x66666667, s22  }
0x67: {  	v9 =	vperm.xlane v9, v0;
	s13 =	sshra.s32 s12, $0x1F;
	s25 =	spop (v2sf);
	s29 =	smulhi.u32 $0x66666667, s16;
	v7 =	vperm.xlane v7, v1  }
0x68: {  	(v2sf) =	vpush v3, $0xB;
	s9 =	sshra.s32 s16, $0x1F;
	s16 =	sshrl.u32 s8, $0x1F;
	s4 =	smulhi.u32 $0x66666667, s25  }
0x69: {  	v6 =	vsel vm8, v6, v8;
	s14 =	spop (v2sf);
	(v2sf) =	vpush v3, $0x6;
	s26 =	sshra.s32 s25, $0x1F;
	s25 =	smul.u32 $0x66666667, s17;
	v7 =	vsel vm8, v7, v9  }
0x6a: {  	v8 =	vld [tilespmem:s23+$0x0];
	s2 =	sshra.s32 s24, $0x1;
	s10 =	sshra.s32 s24, $0x1F;
	s9 =	smul.u32 $0x66666667, s9;
	v6 =	vadd.s32 v6, v7;
	v7 =	vshll.u32 v5, $0x3  }
0x6b: {  	s6 =	sshrl.u32 s24, $0x1F;
	s7 =	smul.u32 $0x66666667, s26;
	s11 =	sshra.s32 s14, $0x1F;
	v5 =	vmov v4;
	v4 =	vadd.s32 v7, v6  }
0x6c: {  	[smem:$0x7F8] =	sst s10;
	s26 =	sshra.s32 s8, $0x1;
	s20 =	spop (v2sf);
	v4 =	vmul.u32 $0x186A0, v4  }
0x6d: {  	vm9 =	vlt.u32 v2, $0x29;
	s17 =	sadd.s32 s15, s19;
	s10 =	smulhi.u32 $0x66666667, s3;
	s15 =	sld [smem:$0x7F6]  }
0x6e: {  	v2 =	vmov v3;
	s3 =	smul.u32 $0x66666667, s0;
	[dreg:$0x1d] =	wrdreg s26;
	s22 =	sshra.s32 s20, $0x1F;
	v3 =	vnsel vm9, $0x186A00, v4  }
0x6f: {  	s19 =	sshra.s32 s17, $0x1F;
	s25 =	sadd.s32 s25, s5;
	s5 =	sshra.s32 s8, $0x1F;
	v3 =	vadd.s32 v8, v3  }
0x70: {  	s9 =	sadd.s32 s9, s29;
	s10 =	sadd.s32 s1, s10;
	s15 =	sshra.s32 s15, $0x2;
	[tilespmem:s23+$0x4B00] =	vst v3  }
0x71: {  	v6 =	vmov s19;
	s19 =	sshra.s32 s25, $0x1F;
	s1 =	sshra.s32 s10, $0x1;
	s24 =	sshrl.u32 s10, $0x1F;
	v3 =	vld [tilespmem:s15+$0x1900]  }
0x72: {  	s10 =	sshra.s32 s10, $0x1F;
	s26 =	spop (v2sf);
	[dreg:$0x7] =	wrdreg s15  }
0x73: {  	[dreg:$0x11] =	wrdreg s19;
	v7 =	vmov s24;
	s24 =	smulhi.u32 $0x66666667, s20;
	s31 =	sshra.s32 s26, $0x1F  }
0x74: {  	s0 =	smulhi.u32 $0x66666667, s26;
	s23 =	sshra.s32 s25, $0x1;
	v4 =	vld [tilespmem:s15+$0x3200];
	s15 =	spop (v2sf)  }
0x75: {  	s26 =	sshra.s32 s17, $0x1;
	[dreg:$0x1a] =	wrdreg s23;
	s23 =	smul.u32 $0x66666667, s31  }
0x76: {  	s19 =	sshrl.u32 s25, $0x1F;
	[dreg:$0xc] =	wrdreg s26;
	s8 =	smulhi.u32 $0x66666667, s15;
	v3 =	vadd.s32 $0xFFFFFFD8, v3  }
.Ltmp0:
0x77: {  	s28 =	sshra.s32 s15, $0x1F;
	s15 =	spop (v2sf);
	(v2sf) =	vpush v3, $0x4;
	(pc) =	sbr.rel @p0 .LBB2_2-.Ltmp0, $4  }
0x78: {  	v6 =	vsel vm3, s1, v6;
	s20 =	sshrl.u32 s9, $0x1F;
	s26 =	smul.u32 $0x66666667, s22;
	vm9 =	vcmask $0x704;
	s1 =	spop (v2sf);
	(v2sf) =	vpush v3, $0x3  }
0x79: {  	s22 =	sshra.s32 s9, $0x1;
	v8 =	vsel vm9, s10, v6;
	s25 =	smulhi.u32 $0x66666667, s14;
	s23 =	sadd.s32 s23, s0;
	(v2sf) =	vpush v3, $0x2  }
0x7a: {  	v6 =	vnsel vm3, $0x0, v7;
	s14 =	sshra.s32 s12, $0x1;
	v7 =	vsel vm0, s2, v8;
	s2 =	smov.u32 s30;
	s31 =	sshra.s32 s23, $0x1;
	(v2sf) =	vpush v3, $0x1  }
0x7b: {  	s29 =	sshra.s32 s15, $0x1F;
	s0 =	smulhi.u32 $0x66666667, s15;
	s9 =	sshra.s32 s1, $0x1F;
	(v2sf) =	vpush v3, $0x0  }
0x7c: {  	_ =	sdelay $0x2  }
0x7d: {  	(v2sf) =	vpush v3, $0x7  }
0x7e: {  	s2 =	smul.u32 $0x66666667, s29  }
0x7f: {  	s10 =	smul.u32 $0x66666667, s21  }
0x80: {  	s15 =	smul.u32 $0x66666667, s9  }
0x81: {  	s9 =	smul.u32 $0x66666667, s11  }
0x82: {  	s1 =	smulhi.u32 $0x66666667, s1  }
0x83: {  	s21 =	smul.u32 $0x66666667, s28;
	v11 =	vmov s20;
	s20 =	rddreg [dreg:$0x11]  }
0x84: {  	[smem:$0x7E2] =	sst s15;
	s15 =	spop (v2sf)  }
0x85: {  	[smem:$0x7E1] =	sst s2;
	s29 =	spop (v2sf)  }
0x86: {  	[smem:$0x7E3] =	sst s1;
	s30 =	spop (v2sf)  }
0x87: {  	(v2sf) =	vpush v3, $0xF;
	[smem:$0x7E4] =	sst s21;
	s11 =	smulhi.u32 $0x66666667, s30;
	s1 =	sshra.s32 s30, $0x1F  }
0x88: {  	(v2sf) =	vpush v3, $0xC;
	s21 =	spop (v2sf);
	s1 =	smul.u32 $0x66666667, s1  }
0x89: {  	s30 =	smulhi.u32 $0x66666667, s21;
	[smem:$0x7E5] =	sst s11  }
0x8a: {  	(v2sf) =	vpush v3, $0x8;
	s2 =	spop (v2sf);
	[smem:$0x7E6] =	sst s1  }
0x8b: {  	(v2sf) =	vpush v3, $0x5;
	s11 =	smulhi.u32 $0x66666667, s15;
	[smem:$0x7E7] =	sst s30;
	s30 =	sadd.s32 s7, s4  }
0x8c: {  	s1 =	sshra.s32 s21, $0x1F;
	s21 =	rddreg [dreg:$0x17];
	s4 =	spop (v2sf)  }
0x8d: {  	(v2sf) =	vpush v3, $0xD;
	s7 =	sld [smem:$0x7E1];
	s1 =	smul.u32 $0x66666667, s1  }
0x8e: {  	[smem:$0x7EB] =	sst s11;
	s11 =	smulhi.u32 $0x66666667, s4  }
0x8f: {  	(v2sf) =	vpush v3, $0x9;
	[smem:$0x7E8] =	sst s1  }
0x90: {  	s1 =	sadd.s32 s3, s21;
	[smem:$0x7E9] =	sst s11  }
0x91: {  	s15 =	sshra.s32 s15, $0x1F;
	s0 =	sadd.s32 s7, s0;
	[smem:$0x7EE] =	sst s1  }
0x92: {  	s3 =	smul.u32 $0x66666667, s15;
	s15 =	sshra.s32 s4, $0x1F;
	[smem:$0x7ED] =	sst s0  }
0x93: {  	(v2sf) =	vpush v3, $0xA;
	s28 =	smul.u32 $0x66666667, s15;
	s15 =	sadd.s32 s26, s24;
	s24 =	sld [smem:$0x7E5]  }
0x94: {  	s21 =	smulhi.u32 $0x66666667, s29;
	s4 =	sshra.s32 s29, $0x1F;
	s29 =	sld [smem:$0x7E9]  }
0x95: {  	[smem:$0x7EC] =	sst s3  }
0x96: {  	[smem:$0x7EA] =	sst s21;
	s3 =	spop (v2sf)  }
0x97: {  	s18 =	sadd.s32 s10, s18;
	[smem:$0x7EF] =	sst s3;
	s7 =	spop (v2sf)  }
0x98: {  	s11 =	smulhi.u32 $0x66666667, s2;
	s2 =	sshra.s32 s2, $0x1F;
	[smem:$0x7F0] =	sst s7  }
0x99: {  	s25 =	sadd.s32 s9, s25;
	s10 =	spop (v2sf);
	s7 =	smul.u32 $0x66666667, s2  }
0x9a: {  	s2 =	sld [smem:$0x7E7];
	s28 =	sadd.s32 s28, s29;
	s1 =	spop (v2sf)  }
0x9b: {  	s9 =	smulhi.u32 $0x66666667, s10;
	s3 =	sshra.s32 s10, $0x1F;
	s10 =	sld [smem:$0x7E2]  }
0x9c: {  	[smem:$0x7F3] =	sst s28;
	s26 =	spop (v2sf)  }
0x9d: {  	s21 =	smul.u32 $0x66666667, s4;
	[smem:$0x7F1] =	sst s26  }
0x9e: {  	s4 =	spop (v2sf);
	s26 =	sld [smem:$0x7E3]  }
0x9f: {  	[smem:$0x7F2] =	sst s4  }
0xa0: {  	v6 =	vsel vm0, s6, v6;
	s4 =	smul.u32 $0x66666667, s3;
	s3 =	sld [smem:$0x7E4]  }
0xa1: {  	s6 =	sshrl.u32 s17, $0x1F;
	v6 =	vsel vm1, s16, v6;
	s16 =	sshra.s32 s25, $0x1;
	s28 =	sld [smem:$0x7EA]  }
0xa2: {  	s0 =	spop (v2sf);
	s10 =	sadd.s32 s10, s26;
	s26 =	sld [smem:$0x7E6]  }
0xa3: {  	s8 =	sadd.s32 s3, s8;
	s3 =	smulhi.u32 $0x66666667, s0;
	s0 =	sshra.s32 s0, $0x1F  }
0xa4: {  	s9 =	sadd.s32 s4, s9;
	s4 =	sld [smem:$0x7EC];
	s0 =	smul.u32 $0x66666667, s0  }
0xa5: {  	v6 =	vsel vm2, s19, v6;
	s19 =	sshra.s32 s30, $0x1F;
	s24 =	sadd.s32 s26, s24;
	s26 =	sld [smem:$0x7E8]  }
0xa6: {  	(v2sf) =	vpush v3, $0xE;
	s0 =	sadd.s32 s0, s3;
	s3 =	sshrl.u32 s12, $0x1F;
	s12 =	sld [smem:$0x7F8]  }
0xa7: {  	[smem:$0x7F4] =	sst s0;
	s0 =	sshrl.u32 s23, $0x1F;
	s23 =	sshrl.u32 s18, $0x1F  }
0xa8: {  	s26 =	sadd.s32 s26, s2;
	s2 =	smulhi.u32 $0x66666667, s1;
	s1 =	sshra.s32 s1, $0x1F  }
0xa9: {  	s7 =	sadd.s32 s7, s11;
	v8 =	vmov s23;
	s23 =	sld [smem:$0x7ED];
	s11 =	smul.u32 $0x66666667, s1  }
0xaa: {  	v6 =	vsel vm4, s3, v6;
	s1 =	sld [smem:$0x7EB];
	v7 =	vsel vm11, s12, v7;
	s12 =	sshrl.u32 s25, $0x1F;
	s25 =	sshrl.u32 s30, $0x1F  }
0xab: {  	v9 =	vmov s22;
	s17 =	sshra.s32 s15, $0x1;
	s22 =	sshrl.u32 s8, $0x1F;
	v6 =	vsel vm5, s25, v6;
	s25 =	sld [smem:$0x7F0]  }
0xac: {  	v8 =	vsel vm0, s12, v8;
	s2 =	sadd.s32 s11, s2;
	s11 =	sshra.s32 s18, $0x1;
	s18 =	rddreg [dreg:$0x1d]  }
0xad: {  	s21 =	sadd.s32 s21, s28;
	s8 =	sshra.s32 s8, $0x1;
	v8 =	vsel vm1, s22, v8;
	s22 =	sld [smem:$0x7F2]  }
0xae: {  	v9 =	vsel vm0, s17, v9;
	(v2sf) =	vpush v3, $0xB;
	s12 =	sshra.s32 s30, $0x1;
	s1 =	sadd.s32 s4, s1;
	s4 =	rddreg [dreg:$0x1a]  }
0xaf: {  	v9 =	vsel vm1, s31, v9;
	s30 =	sshra.s32 s10, $0x1;
	v7 =	vsel vm1, s18, v7;
	s18 =	sshra.s32 s23, $0x1;
	v10 =	vmov s11;
	s11 =	sld [smem:$0x7EE]  }
0xb0: {  	(v2sf) =	vpush v3, $0x6;
	v7 =	vsel vm12, s5, v7;
	s5 =	sshrl.u32 s15, $0x1F;
	s15 =	sshrl.u32 s23, $0x1F;
	s23 =	sld [smem:$0x7EF];
	v10 =	vsel vm0, s16, v10  }
0xb1: {  	s16 =	sshrl.u32 s10, $0x1F;
	v9 =	vsel vm2, s18, v9;
	s18 =	sshra.s32 s24, $0x1;
	v7 =	vsel vm2, s4, v7;
	v10 =	vsel vm1, s8, v10;
	s8 =	sshra.s32 s22, $0x1F  }
0xb2: {  	v11 =	vsel vm0, s5, v11;
	v6 =	vsel vm6, s16, v6;
	s16 =	sshra.s32 s7, $0x1;
	s3 =	sshrl.u32 s11, $0x1F;
	v7 =	vsel vm13, s20, v7;
	s20 =	smulhi.u32 $0x66666667, s25  }
0xb3: {  	s11 =	sshra.s32 s11, $0x1;
	v11 =	vsel vm1, s0, v11;
	s0 =	sshra.s32 s24, $0x1F;
	s8 =	smul.u32 $0x66666667, s8  }
0xb4: {  	s4 =	smulhi.u32 $0x66666667, s23;
	s17 =	sshra.s32 s23, $0x1F;
	v7 =	vsel vm4, s14, v7;
	s14 =	sshra.s32 s10, $0x1F  }
0xb5: {  	s10 =	sshra.s32 s25, $0x1F;
	s23 =	sld [smem:$0x7F1];
	s25 =	spop (v2sf)  }
0xb6: {  	v8 =	vsel vm2, s3, v8;
	s3 =	sshra.s32 s21, $0x1F;
	v7 =	vsel vm14, s13, v7;
	s5 =	smul.u32 $0x66666667, s17;
	s13 =	sshra.s32 s26, $0x1F  }
0xb7: {  	v6 =	vsel vm7, s6, v6;
	v10 =	vsel vm2, s11, v10;
	s17 =	sshrl.u32 s26, $0x1F;
	s6 =	smulhi.u32 $0x66666667, s25;
	s11 =	sshra.s32 s25, $0x1F  }
0xb8: {  	vm9 =	vcmask $0x704;
	s25 =	sshrl.u32 s7, $0x1F;
	s7 =	sshra.s32 s7, $0x1F;
	s10 =	smul.u32 $0x66666667, s10;
	v7 =	vsel vm5, s12, v7  }
0xb9: {  	v11 =	vsel vm2, s15, v11;
	v12 =	vmov s25;
	s25 =	smulhi.u32 $0x66666667, s22;
	v7 =	vsel vm15, s19, v7;
	s19 =	sshrl.u32 s24, $0x1F;
	s24 =	sld [smem:$0x7F3]  }
0xba: {  	v8 =	vcombine.low v11, v8;
	v9 =	vcombine.low v9, v10;
	s12 =	sshra.s32 s26, $0x1;
	s22 =	sshra.s32 s1, $0x1;
	s11 =	smul.u32 $0x66666667, s11;
	v7 =	vsel vm6, s30, v7  }
0xbb: {  	v5 =	vshll.u32 v5, $0x3;
	v6 =	vperm.xlane v6, v1;
	s15 =	sshra.s32 s23, $0x1F;
	s10 =	sadd.s32 s10, s20;
	s30 =	rddreg [dreg:$0xc];
	v7 =	vsel vm10, s14, v7  }
0xbc: {  	v8 =	vperm.xlane v8, v0;
	v9 =	vperm.xlane v9, v0;
	s20 =	sshra.s32 s9, $0x1;
	s9 =	sshrl.u32 s9, $0x1F;
	s26 =	sshra.s32 s24, $0x1F;
	v7 =	vsel vm7, s30, v7  }
0xbd: {  	v60 =	vnsel vm3, $0x0, v12;
	s4 =	sadd.s32 s5, s4;
	s15 =	smul.u32 $0x66666667, s15;
	s8 =	sadd.s32 s8, s25;
	v58 =	vmov s26;
	v7 =	vperm.xlane v7, v1  }
0xbe: {  	s11 =	sadd.s32 s11, s6;
	v62 =	vmov s9;
	v6 =	vsel vm8, v6, v8;
	s30 =	spop (v2sf);
	s26 =	smulhi.u32 $0x66666667, s23;
	v11 =	vsel vm3, s16, v58  }
0xbf: {  	s14 =	sshrl.u32 s21, $0x1F;
	s23 =	sshra.s32 s30, $0x1F;
	v59 =	vsel vm9, s7, v11;
	s7 =	sshra.s32 s21, $0x1;
	v11 =	vsel vm0, s17, v60;
	v7 =	vsel vm8, v7, v9  }
0xc0: {  	s15 =	sadd.s32 s15, s26;
	s26 =	sshrl.u32 s10, $0x1F;
	vm9 =	vlt.u32 v2, $0x29;
	s10 =	sshra.s32 s10, $0x1;
	v10 =	vsel vm0, s12, v59;
	v6 =	vadd.s32 v6, v7  }
0xc1: {  	s21 =	sld [smem:$0x7F4];
	s12 =	spop (v2sf);
	v7 =	vmov s26;
	s25 =	sshrl.u32 s15, $0x1F;
	v61 =	vmov s10;
	v10 =	vsel vm11, s13, v10  }
0xc2: {  	s26 =	sshrl.u32 s2, $0x1F;
	s17 =	sshra.s32 s15, $0x1;
	v5 =	vadd.s32 v5, v6;
	v6 =	vsel vm1, s19, v11;
	s13 =	smul.u32 $0x66666667, s23;
	v7 =	vsel vm0, s25, v7  }
0xc3: {  	s23 =	sshrl.u32 s1, $0x1F;
	s19 =	smulhi.u32 $0x66666667, s12;
	v9 =	vsel vm0, s17, v61;
	s1 =	sshra.s32 s1, $0x1F;
	v8 =	vsel vm1, s18, v10;
	v2 =	vsel vm2, s14, v6  }
0xc4: {  	s25 =	sshrl.u32 s4, $0x1F;
	s18 =	smulhi.u32 $0x66666667, s30;
	s30 =	sshra.s32 s12, $0x1F;
	v5 =	vmul.u32 $0x186A0, v5;
	v6 =	vsel vm12, s0, v8;
	v2 =	vsel vm4, s23, v2  }
0xc5: {  	s5 =	smul.u32 $0x66666667, s30;
	s30 =	sshra.s32 s8, $0x1;
	v8 =	vmov s20;
	s8 =	sshrl.u32 s8, $0x1F;
	v2 =	vsel vm5, s26, v2;
	v6 =	vsel vm2, s7, v6  }
0xc6: {  	s4 =	sshra.s32 s4, $0x1;
	s20 =	sshrl.u32 s11, $0x1F;
	s0 =	sshra.s32 s11, $0x1;
	v8 =	vsel vm0, s30, v8;
	v10 =	vsel vm0, s8, v62;
	v6 =	vsel vm13, s3, v6  }
0xc7: {  	s16 =	sshrl.u32 s21, $0x1F;
	s18 =	sadd.s32 s13, s18;
	v7 =	vsel vm1, s20, v7;
	s26 =	sshra.s32 s21, $0x1;
	v9 =	vsel vm1, s0, v9;
	v6 =	vsel vm4, s22, v6  }
0xc8: {  	s30 =	sshra.s32 s2, $0x1;
	s2 =	sshra.s32 s2, $0x1F;
	s8 =	rddreg [dreg:$0x4];
	v10 =	vsel vm1, s16, v10;
	v7 =	vsel vm2, s25, v7;
	v6 =	vsel vm14, s1, v6  }
0xc9: {  	s23 =	sshrl.u32 s18, $0x1F;
	s5 =	sadd.s32 s5, s19;
	v8 =	vsel vm1, s26, v8;
	s7 =	sshra.s32 s18, $0x1;
	v9 =	vsel vm2, s4, v9;
	v6 =	vsel vm5, s30, v6  }
0xca: {  	v63 =	vld [tilespmem:s8+$0x0];
	v10 =	vsel vm2, s23, v10;
	s9 =	sshrl.u32 s5, $0x1F;
	v8 =	vsel vm2, s7, v8;
	s10 =	sshra.s32 s5, $0x1;
	v6 =	vsel vm15, s2, v6  }
0xcb: {  	s11 =	sshrl.u32 s24, $0x1F;
	s12 =	sshra.s32 s5, $0x1F;
	v7 =	vcombine.low v10, v7;
	v2 =	vsel vm6, s9, v2;
	v6 =	vsel vm6, s10, v6  }
0xcc: {  	s13 =	sshra.s32 s24, $0x1;
	v8 =	vcombine.low v8, v9;
	v2 =	vsel vm7, s11, v2;
	v6 =	vsel vm10, s12, v6  }
0xcd: {  	v2 =	vperm.xlane v2, v1;
	v7 =	vperm.xlane v7, v0;
	v6 =	vsel vm7, s13, v6  }
0xce: {  	v5 =	vnsel vm9, $0x186A00, v5;
	v8 =	vperm.xlane v8, v0;
	v6 =	vperm.xlane v6, v1  }
0xcf: {  	v5 =	vadd.s32 v63, v5  }
0xd0: {  	s14 =	rddreg [dreg:$0x7];
	[tilespmem:s8+$0x4B00] =	vst v5;
	v2 =	vsel vm8, v2, v7;
	v5 =	vsel vm8, v6, v8  }
0xd1: {  	v4 =	vshll.u32 v4, $0x3;
	v6 =	vld [tilespmem:s14+$0x0];
	v2 =	vadd.s32 v2, v5  }
0xd2: {  	v2 =	vadd.s32 v4, v2  }
0xd3: {  	v2 =	vmul.u32 $0x186A0, v2  }
0xd4: {  	vm9 =	vlt.u32 v3, $0x29  }
0xd5: {  	v2 =	vnsel vm9, $0x186A00, v2  }
0xd6: {  	s15 =	rddreg [dreg:$0x1];
	v2 =	vadd.s32 v6, v2  }
0xd7: {  	s17 =	simm.s32 $0x4B00;
	s16 =	simm.s32 $0x640;
	s18 =	simm.s32 $0x6400;
	[tilespmem:s14+$0x4B00] =	vst v2  }
0xd8: {  	[tilespmem:s18], [sflag:$0x2] =	stream.indirect.gather [hbm4b:s15+s16], $0x1, s17, s16, $0xb8;
	[tilespmem:$0x7D00] =	vst v63  }
0xd9: {  	s15 =	simm.s32 $0x0  }
0xda: {  	v2 =	vld [tilespmem:s15+$0x1F40];
	_ =	sdelay $0x4  }
0xdb: {  	v2 =	vadd.s32 $0xFFFFFFD8, v2  }
0xdc: {  	(v2sf) =	vpush v2, $0x4  }
0xdd: {  	(v2sf) =	vpush v2, $0x3;
	_ =	sdelay $0x1  }
0xde: {  	(v2sf) =	vpush v2, $0x2;
	_ =	sdelay $0x1  }
0xdf: {  	(v2sf) =	vpush v2, $0x1;
	_ =	sdelay $0x1  }
0xe0: {  	(v2sf) =	vpush v2, $0x0  }
0xe1: {  	(v2sf) =	vpush v2, $0x7;
	_ =	sdelay $0x1  }
0xe2: {  	(v2sf) =	vpush v2, $0xF;
	_ =	sdelay $0x1  }
0xe3: {  	(v2sf) =	vpush v2, $0xC;
	_ =	sdelay $0x1  }
0xe4: {  	(v2sf) =	vpush v2, $0x8  }
0xe5: {  	s19 =	spop (v2sf)  }
0xe6: {  	s20 =	spop (v2sf);
	s0 =	smulhi.u32 $0x66666667, s19  }
0xe7: {  	(v2sf) =	vpush v2, $0x5;
	s1 =	sshra.s32 s19, $0x1F;
	s5 =	smulhi.u32 $0x66666667, s20  }
0xe8: {  	s4 =	spop (v2sf);
	s1 =	smul.u32 $0x66666667, s1  }
0xe9: {  	s2 =	sshra.s32 s20, $0x1F;
	s8 =	smulhi.u32 $0x66666667, s4  }
0xea: {  	s6 =	spop (v2sf);
	s2 =	smul.u32 $0x66666667, s2  }
0xeb: {  	(v2sf) =	vpush v2, $0xD;
	s3 =	sshra.s32 s4, $0x1F;
	s13 =	smulhi.u32 $0x66666667, s6  }
0xec: {  	(v2sf) =	vpush v2, $0x9;
	s9 =	spop (v2sf);
	s3 =	smul.u32 $0x66666667, s3;
	s4 =	sshra.s32 s6, $0x1F  }
0xed: {  	(v2sf) =	vpush v2, $0xA;
	s21 =	spop (v2sf);
	s30 =	smul.u32 $0x66666667, s4  }
0xee: {  	(v2sf) =	vpush v2, $0xE;
	s16 =	smulhi.u32 $0x66666667, s21  }
0xef: {  	s24 =	spop (v2sf);
	s11 =	sadd.s32 s3, s8;
	s8 =	smulhi.u32 $0x66666667, s9  }
0xf0: {  	s17 =	sshra.s32 s9, $0x1F;
	s10 =	sshra.s32 s21, $0x1F;
	s25 =	smulhi.u32 $0x66666667, s24  }
0xf1: {  	s2 =	sadd.s32 s2, s5;
	s26 =	spop (v2sf);
	s19 =	smul.u32 $0x66666667, s10  }
0xf2: {  	s24 =	sshra.s32 s24, $0x1F;
	s9 =	sadd.s32 s30, s13;
	s10 =	simm.s32 $0x10  }
0xf3: {  	s5 =	sshra.s32 s11, $0x1F;
	s22 =	spop (v2sf);
	s18 =	smulhi.u32 $0x66666667, s26  }
0xf4: {  	s21 =	sshra.s32 s26, $0x1F;
	s3 =	smul.u32 $0x66666667, s24;
	s30 =	sshra.s32 s9, $0x1  }
0xf5: {  	s13 =	sshra.s32 s9, $0x1F;
	s24 =	smul.u32 $0x66666667, s17;
	[dreg:$0x18] =	wrdreg s25  }
0xf6: {  	(v2sf) =	vpush v2, $0xB;
	s23 =	spop (v2sf);
	s25 =	sshra.s32 s22, $0x1F;
	s14 =	smulhi.u32 $0x66666667, s22  }
0xf7: {  	[smem:$0x7F5] =	sst s13;
	s17 =	sadd.s32 s19, s16;
	s16 =	sshrl.u32 s11, $0x1F  }
0xf8: {  	(v2sf) =	vpush v2, $0x6;
	s19 =	sshrl.u32 s2, $0x1F;
	s4 =	smulhi.u32 $0x66666667, s23;
	s7 =	sshra.s32 s23, $0x1F  }
0xf9: {  	s23 =	sshra.s32 s11, $0x1;
	s6 =	smul.u32 $0x66666667, s25;
	s24 =	sadd.s32 s24, s8  }
0xfa: {  	s11 =	sshra.s32 s2, $0x1F;
	[dreg:$0x1e] =	wrdreg s23;
	s20 =	spop (v2sf)  }
0xfb: {  	v5 =	vld [tilespmem:s15+$0x3840];
	s15 =	sshra.s32 s17, $0x1;
	[dreg:$0x12] =	wrdreg s11;
	s22 =	spop (v2sf)  }
0xfc: {  	s14 =	sadd.s32 s6, s14;
	s6 =	sshrl.u32 s9, $0x1F;
	s26 =	spop (v2sf)  }
0xfd: {  	s9 =	sshra.s32 s24, $0x1F;
	s13 =	smulhi.u32 $0x66666667, s26;
	s25 =	spop (v2sf)  }
0xfe: {  	v3 =	vld [tilespmem:s10+$0x1F40];
	s11 =	sshra.s32 s20, $0x1F;
	s12 =	sshra.s32 s26, $0x1F;
	s8 =	smulhi.u32 $0x66666667, s25  }
0xff: {  	s26 =	smul.u32 $0x66666667, s12;
	s28 =	sshra.s32 s25, $0x1F;
	s12 =	sadd.s32 s1, s0  }
0x100: {  	s25 =	smulhi.u32 $0x66666667, s20;
	s20 =	sshra.s32 s22, $0x1F;
	s0 =	sshra.s32 s24, $0x1  }
0x101: {  	s1 =	sshrl.u32 s24, $0x1F;
	s24 =	smulhi.u32 $0x66666667, s22;
	s22 =	sshra.s32 s17, $0x1F  }
0x102: {  	s7 =	smul.u32 $0x66666667, s7;
	[dreg:$0xd] =	wrdreg s15;
	v4 =	vmov s22;
	s22 =	sshra.s32 s14, $0x1  }
0x103: {  	v3 =	vadd.s32 $0xFFFFFFD8, v3;
	s23 =	sadd.s32 s26, s13;
	s13 =	sshra.s32 s2, $0x1;
	s26 =	smul.u32 $0x66666667, s20  }
0x104: {  	(v2sf) =	vpush v3, $0x4;
	s20 =	sshrl.u32 s14, $0x1F;
	s14 =	simm.s32 $0x0;
	[dreg:$0x1b] =	wrdreg s13  }
0x105: {  	vm9 =	vcmask $0x704;
	(v2sf) =	vpush v3, $0x3;
	v4 =	vsel vm3, s0, v4;
	s2 =	simm.s32 $0x80;
	s13 =	spop (v2sf);
	[dreg:$0x5] =	wrdreg s14  }
0x106: {  	(v2sf) =	vpush v3, $0x2;
	v4 =	vsel vm9, s9, v4;
	s14 =	sshra.s32 s12, $0x1;
	s31 =	sshra.s32 s23, $0x1;
	s29 =	sshra.s32 s13, $0x1F  }
0x107: {  	v6 =	vmov s1;
	(v2sf) =	vpush v3, $0x1;
	s0 =	smulhi.u32 $0x66666667, s13;
	s1 =	spop (v2sf);
	v7 =	vsel vm0, s30, v4;
	s30 =	simm.s32 $0x10  }
0x108: {  	v6 =	vnsel vm3, $0x0, v6;
	s13 =	sshra.s32 s12, $0x1F;
	v4 =	vld [tilespmem:s10+$0x3840];
	(v2sf) =	vpush v3, $0x0;
	[dreg:$0x8] =	wrdreg s30;
	s9 =	sshra.s32 s1, $0x1F  }
.LBB2_4:
0x109: {  	s30 =	sshrl.u32 s23, $0x1F;
	s10 =	rddreg [dreg:$0x5]  }
0x10a: {  	s7 =	sadd.s32 s7, s4;
	s4 =	smul.u32 $0x66666667, s21;
	s21 =	rddreg [dreg:$0x18]  }
0x10b: {  	s29 =	smul.u32 $0x66666667, s29;
	s23 =	smov.u32 s2;
	v6 =	vsel vm0, s6, v6;
	s6 =	rddreg [dreg:$0x1e]  }
0x10c: {  	s12 =	sshrl.u32 s12, $0x1F;
	s9 =	smul.u32 $0x66666667, s9;
	[smem:$0x7E0] =	sst s23  }
0x10d: {  	s11 =	smul.u32 $0x66666667, s11;
	s23 =	smov.u32 s10;
	s10 =	rddreg [dreg:$0x8]  }
0x10e: {  	s1 =	smulhi.u32 $0x66666667, s1;
	p0 =	sne.s32 s2, $0x18C0;
	s15 =	smov.u32 s10  }
0x10f: {  	(v2sf) =	vpush v3, $0x7;
	s3 =	sadd.s32 s3, s21;
	s24 =	sadd.s32 s26, s24;
	[dreg:$0x5] =	wrdreg s15  }
0x110: {  	s21 =	sadd.s32 s29, s0;
	s29 =	sshrl.u32 s7, $0x1F;
	s15 =	sld [smem:$0x7F5]  }
0x111: {  	(v2sf) =	vpush v3, $0xF;
	s4 =	sadd.s32 s4, s18;
	s0 =	sshrl.u32 s17, $0x1F;
	s17 =	smul.u32 $0x66666667, s28  }
0x112: {  	s1 =	sadd.s32 s9, s1;
	s9 =	sshra.s32 s7, $0x1;
	s7 =	sshra.s32 s7, $0x1F  }
0x113: {  	v6 =	vsel vm1, s16, v6;
	(v2sf) =	vpush v3, $0xC;
	s16 =	sshra.s32 s3, $0x1;
	s10 =	sshrl.u32 s4, $0x1F;
	s4 =	sshra.s32 s4, $0x1;
	v7 =	vsel vm11, s15, v7  }
0x114: {  	(v2sf) =	vpush v3, $0x8;
	s26 =	sshra.s32 s21, $0x1;
	s8 =	sadd.s32 s17, s8;
	v10 =	vmov s4;
	s4 =	sshra.s32 s1, $0x1F;
	v7 =	vsel vm1, s6, v7  }
0x115: {  	v9 =	vmov s22;
	v6 =	vsel vm2, s19, v6;
	s17 =	sshrl.u32 s1, $0x1F;
	v7 =	vsel vm12, s5, v7;
	s5 =	sadd.s32 s11, s25;
	s25 =	sshra.s32 s24, $0x1  }
0x116: {  	(v2sf) =	vpush v3, $0x5;
	v8 =	vmov s10;
	s15 =	sshrl.u32 s21, $0x1F;
	s21 =	rddreg [dreg:$0x1b];
	v9 =	vsel vm0, s25, v9;
	s10 =	spop (v2sf)  }
0x117: {  	v11 =	vmov s20;
	v6 =	vsel vm4, s12, v6;
	s6 =	sshrl.u32 s24, $0x1F;
	s18 =	sshrl.u32 s5, $0x1F;
	v9 =	vsel vm1, s31, v9;
	s12 =	smulhi.u32 $0x66666667, s10  }
0x118: {  	(v2sf) =	vpush v3, $0xD;
	v11 =	vsel vm0, s6, v11;
	s5 =	sshra.s32 s5, $0x1;
	s22 =	spop (v2sf);
	v9 =	vsel vm2, s26, v9;
	s26 =	rddreg [dreg:$0x12]  }
0x119: {  	s11 =	sshrl.u32 s3, $0x1F;
	v11 =	vsel vm1, s30, v11;
	v10 =	vsel vm0, s5, v10;
	s5 =	smulhi.u32 $0x66666667, s22;
	s25 =	spop (v2sf)  }
0x11a: {  	s24 =	sshrl.u32 s8, $0x1F;
	v7 =	vsel vm2, s21, v7;
	v8 =	vsel vm0, s18, v8;
	v11 =	vsel vm2, s15, v11;
	s15 =	smulhi.u32 $0x66666667, s25;
	s19 =	spop (v2sf)  }
0x11b: {  	(v2sf) =	vpush v3, $0x9;
	s8 =	sshra.s32 s8, $0x1;
	v8 =	vsel vm1, s24, v8;
	v7 =	vsel vm13, s26, v7;
	s30 =	sshra.s32 s25, $0x1F;
	s20 =	smulhi.u32 $0x66666667, s19  }
0x11c: {  	v8 =	vsel vm2, s11, v8;
	s11 =	sshra.s32 s1, $0x1;
	s26 =	sshra.s32 s10, $0x1F;
	v7 =	vsel vm4, s14, v7;
	s18 =	smul.u32 $0x66666667, s30  }
0x11d: {  	s3 =	spop (v2sf);
	v7 =	vsel vm14, s13, v7;
	s14 =	sshra.s32 s19, $0x1F;
	s13 =	smul.u32 $0x66666667, s26  }
0x11e: {  	v6 =	vsel vm5, s29, v6;
	v10 =	vsel vm1, s8, v10;
	s21 =	spop (v2sf);
	s8 =	sadd.s32 s18, s15;
	s18 =	smul.u32 $0x66666667, s14  }
0x11f: {  	v6 =	vsel vm6, s17, v6;
	s17 =	sshra.s32 s22, $0x1F;
	s1 =	sshra.s32 s3, $0x1F;
	v7 =	vsel vm5, s9, v7;
	s19 =	smulhi.u32 $0x66666667, s21  }
0x120: {  	s30 =	sadd.s32 $0x40, s2;
	s24 =	spop (v2sf);
	v7 =	vsel vm15, s7, v7;
	s1 =	smul.u32 $0x66666667, s1  }
0x121: {  	v6 =	vsel vm7, s0, v6;
	(v2sf) =	vpush v3, $0xA;
	s22 =	sshra.s32 s21, $0x1F;
	s12 =	sadd.s32 s13, s12;
	s25 =	smulhi.u32 $0x66666667, s24;
	v7 =	vsel vm6, s11, v7  }
0x122: {  	v10 =	vsel vm2, s16, v10;
	v8 =	vcombine.low v11, v8;
	s0 =	sshra.s32 s24, $0x1F;
	s15 =	spop (v2sf);
	s24 =	rddreg [dreg:$0xd];
	v7 =	vsel vm10, s4, v7  }
0x123: {  	v9 =	vcombine.low v9, v10;
	(v2sf) =	vpush v3, $0xE;
	s16 =	spop (v2sf);
	v7 =	vsel vm7, s24, v7;
	s24 =	sadd.s32 s18, s20;
	s18 =	smulhi.u32 $0x66666667, s15  }
0x124: {  	v6 =	vperm.xlane v6, v1;
	v8 =	vperm.xlane v8, v0;
	s21 =	sshra.s32 s15, $0x1F;
	[dreg:$0x18] =	wrdreg s25;
	s15 =	smul.u32 $0x66666667, s22  }
0x125: {  	v9 =	vperm.xlane v9, v0;
	s13 =	sshra.s32 s12, $0x1F;
	s25 =	spop (v2sf);
	s29 =	smulhi.u32 $0x66666667, s16;
	v7 =	vperm.xlane v7, v1  }
0x126: {  	(v2sf) =	vpush v3, $0xB;
	s9 =	sshra.s32 s16, $0x1F;
	s16 =	sshrl.u32 s8, $0x1F;
	s4 =	smulhi.u32 $0x66666667, s25  }
0x127: {  	v6 =	vsel vm8, v6, v8;
	s14 =	spop (v2sf);
	(v2sf) =	vpush v3, $0x6;
	s26 =	sshra.s32 s25, $0x1F;
	s25 =	smul.u32 $0x66666667, s17;
	v7 =	vsel vm8, v7, v9  }
0x128: {  	v8 =	vld [tilespmem:s23+$0x640];
	s2 =	sshra.s32 s24, $0x1;
	s10 =	sshra.s32 s24, $0x1F;
	s9 =	smul.u32 $0x66666667, s9;
	v6 =	vadd.s32 v6, v7;
	v7 =	vshll.u32 v5, $0x3  }
0x129: {  	s6 =	sshrl.u32 s24, $0x1F;
	s7 =	smul.u32 $0x66666667, s26;
	s11 =	sshra.s32 s14, $0x1F;
	v5 =	vmov v4;
	v4 =	vadd.s32 v7, v6  }
0x12a: {  	[smem:$0x7F5] =	sst s10;
	s26 =	sshra.s32 s8, $0x1;
	s20 =	spop (v2sf);
	v4 =	vmul.u32 $0x186A0, v4  }
0x12b: {  	vm9 =	vlt.u32 v2, $0x29;
	s17 =	sadd.s32 s15, s19;
	s10 =	smulhi.u32 $0x66666667, s3;
	s15 =	sld [smem:$0x7E0]  }
0x12c: {  	v2 =	vmov v3;
	s3 =	smul.u32 $0x66666667, s0;
	[dreg:$0x1e] =	wrdreg s26;
	s22 =	sshra.s32 s20, $0x1F;
	v3 =	vnsel vm9, $0x186A00, v4  }
0x12d: {  	s19 =	sshra.s32 s17, $0x1F;
	s25 =	sadd.s32 s25, s5;
	s5 =	sshra.s32 s8, $0x1F;
	v3 =	vadd.s32 v8, v3  }
0x12e: {  	s9 =	sadd.s32 s9, s29;
	s10 =	sadd.s32 s1, s10;
	s15 =	sshra.s32 s15, $0x2;
	[tilespmem:s23+$0x5140] =	vst v3  }
0x12f: {  	v6 =	vmov s19;
	s19 =	sshra.s32 s25, $0x1F;
	s1 =	sshra.s32 s10, $0x1;
	s24 =	sshrl.u32 s10, $0x1F;
	v3 =	vld [tilespmem:s15+$0x1F40]  }
0x130: {  	s10 =	sshra.s32 s10, $0x1F;
	s26 =	spop (v2sf);
	[dreg:$0x8] =	wrdreg s15  }
0x131: {  	[dreg:$0x12] =	wrdreg s19;
	v7 =	vmov s24;
	s24 =	smulhi.u32 $0x66666667, s20;
	s31 =	sshra.s32 s26, $0x1F  }
0x132: {  	s0 =	smulhi.u32 $0x66666667, s26;
	s23 =	sshra.s32 s25, $0x1;
	v4 =	vld [tilespmem:s15+$0x3840];
	s15 =	spop (v2sf)  }
0x133: {  	s26 =	sshra.s32 s17, $0x1;
	[dreg:$0x1b] =	wrdreg s23;
	s23 =	smul.u32 $0x66666667, s31  }
0x134: {  	s19 =	sshrl.u32 s25, $0x1F;
	[dreg:$0xd] =	wrdreg s26;
	s8 =	smulhi.u32 $0x66666667, s15;
	v3 =	vadd.s32 $0xFFFFFFD8, v3  }
.Ltmp1:
0x135: {  	s28 =	sshra.s32 s15, $0x1F;
	s15 =	spop (v2sf);
	(v2sf) =	vpush v3, $0x4;
	(pc) =	sbr.rel @p0 .LBB2_4-.Ltmp1, $4  }
0x136: {  	v6 =	vsel vm3, s1, v6;
	s20 =	sshrl.u32 s9, $0x1F;
	s26 =	smul.u32 $0x66666667, s22;
	vm9 =	vcmask $0x704;
	s1 =	spop (v2sf);
	(v2sf) =	vpush v3, $0x3  }
0x137: {  	s22 =	sshra.s32 s9, $0x1;
	v8 =	vsel vm9, s10, v6;
	s25 =	smulhi.u32 $0x66666667, s14;
	s23 =	sadd.s32 s23, s0;
	(v2sf) =	vpush v3, $0x2  }
0x138: {  	v6 =	vnsel vm3, $0x0, v7;
	s14 =	sshra.s32 s12, $0x1;
	v7 =	vsel vm0, s2, v8;
	s2 =	smov.u32 s30;
	s31 =	sshra.s32 s23, $0x1;
	(v2sf) =	vpush v3, $0x1  }
0x139: {  	s29 =	sshra.s32 s15, $0x1F;
	s0 =	smulhi.u32 $0x66666667, s15;
	s9 =	sshra.s32 s1, $0x1F;
	(v2sf) =	vpush v3, $0x0  }
0x13a: {  	_ =	sdelay $0x2  }
0x13b: {  	(v2sf) =	vpush v3, $0x7  }
0x13c: {  	s2 =	smul.u32 $0x66666667, s29  }
0x13d: {  	s10 =	smul.u32 $0x66666667, s21  }
0x13e: {  	s15 =	smul.u32 $0x66666667, s9  }
0x13f: {  	s9 =	smul.u32 $0x66666667, s11  }
0x140: {  	s1 =	smulhi.u32 $0x66666667, s1  }
0x141: {  	s21 =	smul.u32 $0x66666667, s28;
	v11 =	vmov s20;
	s20 =	rddreg [dreg:$0x12]  }
0x142: {  	[smem:$0x7CC] =	sst s15;
	s15 =	spop (v2sf)  }
0x143: {  	[smem:$0x7CB] =	sst s2;
	s29 =	spop (v2sf)  }
0x144: {  	[smem:$0x7CD] =	sst s1;
	s30 =	spop (v2sf)  }
0x145: {  	(v2sf) =	vpush v3, $0xF;
	[smem:$0x7CE] =	sst s21;
	s11 =	smulhi.u32 $0x66666667, s30;
	s1 =	sshra.s32 s30, $0x1F  }
0x146: {  	(v2sf) =	vpush v3, $0xC;
	s21 =	spop (v2sf);
	s1 =	smul.u32 $0x66666667, s1  }
0x147: {  	s30 =	smulhi.u32 $0x66666667, s21;
	[smem:$0x7CF] =	sst s11  }
0x148: {  	(v2sf) =	vpush v3, $0x8;
	s2 =	spop (v2sf);
	[smem:$0x7D0] =	sst s1  }
0x149: {  	(v2sf) =	vpush v3, $0x5;
	s11 =	smulhi.u32 $0x66666667, s15;
	[smem:$0x7D1] =	sst s30;
	s30 =	sadd.s32 s7, s4  }
0x14a: {  	s1 =	sshra.s32 s21, $0x1F;
	s21 =	rddreg [dreg:$0x18];
	s4 =	spop (v2sf)  }
0x14b: {  	(v2sf) =	vpush v3, $0xD;
	s7 =	sld [smem:$0x7CB];
	s1 =	smul.u32 $0x66666667, s1  }
0x14c: {  	[smem:$0x7D5] =	sst s11;
	s11 =	smulhi.u32 $0x66666667, s4  }
0x14d: {  	(v2sf) =	vpush v3, $0x9;
	[smem:$0x7D2] =	sst s1  }
0x14e: {  	s1 =	sadd.s32 s3, s21;
	[smem:$0x7D3] =	sst s11  }
0x14f: {  	s15 =	sshra.s32 s15, $0x1F;
	s0 =	sadd.s32 s7, s0;
	[smem:$0x7D8] =	sst s1  }
0x150: {  	s3 =	smul.u32 $0x66666667, s15;
	s15 =	sshra.s32 s4, $0x1F;
	[smem:$0x7D7] =	sst s0  }
0x151: {  	(v2sf) =	vpush v3, $0xA;
	s28 =	smul.u32 $0x66666667, s15;
	s15 =	sadd.s32 s26, s24;
	s24 =	sld [smem:$0x7CF]  }
0x152: {  	s21 =	smulhi.u32 $0x66666667, s29;
	s4 =	sshra.s32 s29, $0x1F;
	s29 =	sld [smem:$0x7D3]  }
0x153: {  	[smem:$0x7D6] =	sst s3  }
0x154: {  	[smem:$0x7D4] =	sst s21;
	s3 =	spop (v2sf)  }
0x155: {  	s18 =	sadd.s32 s10, s18;
	[smem:$0x7D9] =	sst s3;
	s7 =	spop (v2sf)  }
0x156: {  	s11 =	smulhi.u32 $0x66666667, s2;
	s2 =	sshra.s32 s2, $0x1F;
	[smem:$0x7DA] =	sst s7  }
0x157: {  	s25 =	sadd.s32 s9, s25;
	s10 =	spop (v2sf);
	s7 =	smul.u32 $0x66666667, s2  }
0x158: {  	s2 =	sld [smem:$0x7D1];
	s28 =	sadd.s32 s28, s29;
	s1 =	spop (v2sf)  }
0x159: {  	s9 =	smulhi.u32 $0x66666667, s10;
	s3 =	sshra.s32 s10, $0x1F;
	s10 =	sld [smem:$0x7CC]  }
0x15a: {  	[smem:$0x7DD] =	sst s28;
	s26 =	spop (v2sf)  }
0x15b: {  	s21 =	smul.u32 $0x66666667, s4;
	[smem:$0x7DB] =	sst s26  }
0x15c: {  	s4 =	spop (v2sf);
	s26 =	sld [smem:$0x7CD]  }
0x15d: {  	[smem:$0x7DC] =	sst s4  }
0x15e: {  	v6 =	vsel vm0, s6, v6;
	s4 =	smul.u32 $0x66666667, s3;
	s3 =	sld [smem:$0x7CE]  }
0x15f: {  	s6 =	sshrl.u32 s17, $0x1F;
	v6 =	vsel vm1, s16, v6;
	s16 =	sshra.s32 s25, $0x1;
	s28 =	sld [smem:$0x7D4]  }
0x160: {  	s0 =	spop (v2sf);
	s10 =	sadd.s32 s10, s26;
	s26 =	sld [smem:$0x7D0]  }
0x161: {  	s8 =	sadd.s32 s3, s8;
	s3 =	smulhi.u32 $0x66666667, s0;
	s0 =	sshra.s32 s0, $0x1F  }
0x162: {  	s9 =	sadd.s32 s4, s9;
	s4 =	sld [smem:$0x7D6];
	s0 =	smul.u32 $0x66666667, s0  }
0x163: {  	v6 =	vsel vm2, s19, v6;
	s19 =	sshra.s32 s30, $0x1F;
	s24 =	sadd.s32 s26, s24;
	s26 =	sld [smem:$0x7D2]  }
0x164: {  	(v2sf) =	vpush v3, $0xE;
	s0 =	sadd.s32 s0, s3;
	s3 =	sshrl.u32 s12, $0x1F;
	s12 =	sld [smem:$0x7F5]  }
0x165: {  	[smem:$0x7DE] =	sst s0;
	s0 =	sshrl.u32 s23, $0x1F;
	s23 =	sshrl.u32 s18, $0x1F  }
0x166: {  	s26 =	sadd.s32 s26, s2;
	s2 =	smulhi.u32 $0x66666667, s1;
	s1 =	sshra.s32 s1, $0x1F  }
0x167: {  	s7 =	sadd.s32 s7, s11;
	v8 =	vmov s23;
	s23 =	sld [smem:$0x7D7];
	s11 =	smul.u32 $0x66666667, s1  }
0x168: {  	v6 =	vsel vm4, s3, v6;
	s1 =	sld [smem:$0x7D5];
	v7 =	vsel vm11, s12, v7;
	s12 =	sshrl.u32 s25, $0x1F;
	s25 =	sshrl.u32 s30, $0x1F  }
0x169: {  	v9 =	vmov s22;
	s17 =	sshra.s32 s15, $0x1;
	s22 =	sshrl.u32 s8, $0x1F;
	v6 =	vsel vm5, s25, v6;
	s25 =	sld [smem:$0x7DA]  }
0x16a: {  	v8 =	vsel vm0, s12, v8;
	s2 =	sadd.s32 s11, s2;
	s11 =	sshra.s32 s18, $0x1;
	s18 =	rddreg [dreg:$0x1e]  }
0x16b: {  	s21 =	sadd.s32 s21, s28;
	s8 =	sshra.s32 s8, $0x1;
	v8 =	vsel vm1, s22, v8;
	s22 =	sld [smem:$0x7DC]  }
0x16c: {  	v9 =	vsel vm0, s17, v9;
	(v2sf) =	vpush v3, $0xB;
	s12 =	sshra.s32 s30, $0x1;
	s1 =	sadd.s32 s4, s1;
	s4 =	rddreg [dreg:$0x1b]  }
0x16d: {  	v9 =	vsel vm1, s31, v9;
	s30 =	sshra.s32 s10, $0x1;
	v7 =	vsel vm1, s18, v7;
	s18 =	sshra.s32 s23, $0x1;
	v10 =	vmov s11;
	s11 =	sld [smem:$0x7D8]  }
0x16e: {  	(v2sf) =	vpush v3, $0x6;
	v7 =	vsel vm12, s5, v7;
	s5 =	sshrl.u32 s15, $0x1F;
	s15 =	sshrl.u32 s23, $0x1F;
	s23 =	sld [smem:$0x7D9];
	v10 =	vsel vm0, s16, v10  }
0x16f: {  	s16 =	sshrl.u32 s10, $0x1F;
	v9 =	vsel vm2, s18, v9;
	s18 =	sshra.s32 s24, $0x1;
	v7 =	vsel vm2, s4, v7;
	v10 =	vsel vm1, s8, v10;
	s8 =	sshra.s32 s22, $0x1F  }
0x170: {  	v11 =	vsel vm0, s5, v11;
	v6 =	vsel vm6, s16, v6;
	s16 =	sshra.s32 s7, $0x1;
	s3 =	sshrl.u32 s11, $0x1F;
	v7 =	vsel vm13, s20, v7;
	s20 =	smulhi.u32 $0x66666667, s25  }
0x171: {  	s11 =	sshra.s32 s11, $0x1;
	v11 =	vsel vm1, s0, v11;
	s0 =	sshra.s32 s24, $0x1F;
	s8 =	smul.u32 $0x66666667, s8  }
0x172: {  	s4 =	smulhi.u32 $0x66666667, s23;
	s17 =	sshra.s32 s23, $0x1F;
	v7 =	vsel vm4, s14, v7;
	s14 =	sshra.s32 s10, $0x1F  }
0x173: {  	s10 =	sshra.s32 s25, $0x1F;
	s23 =	sld [smem:$0x7DB];
	s25 =	spop (v2sf)  }
0x174: {  	v8 =	vsel vm2, s3, v8;
	s3 =	sshra.s32 s21, $0x1F;
	v7 =	vsel vm14, s13, v7;
	s5 =	smul.u32 $0x66666667, s17;
	s13 =	sshra.s32 s26, $0x1F  }
0x175: {  	v6 =	vsel vm7, s6, v6;
	v10 =	vsel vm2, s11, v10;
	s17 =	sshrl.u32 s26, $0x1F;
	s6 =	smulhi.u32 $0x66666667, s25;
	s11 =	sshra.s32 s25, $0x1F  }
0x176: {  	vm9 =	vcmask $0x704;
	s25 =	sshrl.u32 s7, $0x1F;
	s7 =	sshra.s32 s7, $0x1F;
	s10 =	smul.u32 $0x66666667, s10;
	v7 =	vsel vm5, s12, v7  }
0x177: {  	v11 =	vsel vm2, s15, v11;
	v12 =	vmov s25;
	s25 =	smulhi.u32 $0x66666667, s22;
	v7 =	vsel vm15, s19, v7;
	s19 =	sshrl.u32 s24, $0x1F;
	s24 =	sld [smem:$0x7DD]  }
0x178: {  	v8 =	vcombine.low v11, v8;
	v9 =	vcombine.low v9, v10;
	s12 =	sshra.s32 s26, $0x1;
	s22 =	sshra.s32 s1, $0x1;
	s11 =	smul.u32 $0x66666667, s11;
	v7 =	vsel vm6, s30, v7  }
0x179: {  	v5 =	vshll.u32 v5, $0x3;
	v6 =	vperm.xlane v6, v1;
	s15 =	sshra.s32 s23, $0x1F;
	s10 =	sadd.s32 s10, s20;
	s30 =	rddreg [dreg:$0xd];
	v7 =	vsel vm10, s14, v7  }
0x17a: {  	v8 =	vperm.xlane v8, v0;
	v9 =	vperm.xlane v9, v0;
	s20 =	sshra.s32 s9, $0x1;
	s9 =	sshrl.u32 s9, $0x1F;
	s26 =	sshra.s32 s24, $0x1F;
	v7 =	vsel vm7, s30, v7  }
0x17b: {  	v60 =	vnsel vm3, $0x0, v12;
	s4 =	sadd.s32 s5, s4;
	s15 =	smul.u32 $0x66666667, s15;
	s8 =	sadd.s32 s8, s25;
	v58 =	vmov s26;
	v7 =	vperm.xlane v7, v1  }
0x17c: {  	s11 =	sadd.s32 s11, s6;
	v62 =	vmov s9;
	v6 =	vsel vm8, v6, v8;
	s30 =	spop (v2sf);
	s26 =	smulhi.u32 $0x66666667, s23;
	v11 =	vsel vm3, s16, v58  }
0x17d: {  	s14 =	sshrl.u32 s21, $0x1F;
	s23 =	sshra.s32 s30, $0x1F;
	v59 =	vsel vm9, s7, v11;
	s7 =	sshra.s32 s21, $0x1;
	v11 =	vsel vm0, s17, v60;
	v7 =	vsel vm8, v7, v9  }
0x17e: {  	s15 =	sadd.s32 s15, s26;
	s26 =	sshrl.u32 s10, $0x1F;
	vm9 =	vlt.u32 v2, $0x29;
	s10 =	sshra.s32 s10, $0x1;
	v10 =	vsel vm0, s12, v59;
	v6 =	vadd.s32 v6, v7  }
0x17f: {  	s21 =	sld [smem:$0x7DE];
	s12 =	spop (v2sf);
	v7 =	vmov s26;
	s25 =	sshrl.u32 s15, $0x1F;
	v61 =	vmov s10;
	v10 =	vsel vm11, s13, v10  }
0x180: {  	s26 =	sshrl.u32 s2, $0x1F;
	s17 =	sshra.s32 s15, $0x1;
	v5 =	vadd.s32 v5, v6;
	v6 =	vsel vm1, s19, v11;
	s13 =	smul.u32 $0x66666667, s23;
	v7 =	vsel vm0, s25, v7  }
0x181: {  	s23 =	sshrl.u32 s1, $0x1F;
	s19 =	smulhi.u32 $0x66666667, s12;
	v9 =	vsel vm0, s17, v61;
	s1 =	sshra.s32 s1, $0x1F;
	v8 =	vsel vm1, s18, v10;
	v2 =	vsel vm2, s14, v6  }
0x182: {  	s25 =	sshrl.u32 s4, $0x1F;
	s18 =	smulhi.u32 $0x66666667, s30;
	s30 =	sshra.s32 s12, $0x1F;
	v5 =	vmul.u32 $0x186A0, v5;
	v6 =	vsel vm12, s0, v8;
	v2 =	vsel vm4, s23, v2  }
0x183: {  	s5 =	smul.u32 $0x66666667, s30;
	s30 =	sshra.s32 s8, $0x1;
	v8 =	vmov s20;
	s8 =	sshrl.u32 s8, $0x1F;
	v2 =	vsel vm5, s26, v2;
	v6 =	vsel vm2, s7, v6  }
0x184: {  	s4 =	sshra.s32 s4, $0x1;
	s20 =	sshrl.u32 s11, $0x1F;
	s0 =	sshra.s32 s11, $0x1;
	v8 =	vsel vm0, s30, v8;
	v10 =	vsel vm0, s8, v62;
	v6 =	vsel vm13, s3, v6  }
0x185: {  	s16 =	sshrl.u32 s21, $0x1F;
	s18 =	sadd.s32 s13, s18;
	v7 =	vsel vm1, s20, v7;
	s26 =	sshra.s32 s21, $0x1;
	v9 =	vsel vm1, s0, v9;
	v6 =	vsel vm4, s22, v6  }
0x186: {  	s30 =	sshra.s32 s2, $0x1;
	s2 =	sshra.s32 s2, $0x1F;
	s8 =	rddreg [dreg:$0x5];
	v10 =	vsel vm1, s16, v10;
	v7 =	vsel vm2, s25, v7;
	v6 =	vsel vm14, s1, v6  }
0x187: {  	s23 =	sshrl.u32 s18, $0x1F;
	s5 =	sadd.s32 s5, s19;
	v8 =	vsel vm1, s26, v8;
	s7 =	sshra.s32 s18, $0x1;
	v9 =	vsel vm2, s4, v9;
	v6 =	vsel vm5, s30, v6  }
0x188: {  	v63 =	vld [tilespmem:s8+$0x640];
	v10 =	vsel vm2, s23, v10;
	s9 =	sshrl.u32 s5, $0x1F;
	v8 =	vsel vm2, s7, v8;
	s10 =	sshra.s32 s5, $0x1;
	v6 =	vsel vm15, s2, v6  }
0x189: {  	s11 =	sshrl.u32 s24, $0x1F;
	s12 =	sshra.s32 s5, $0x1F;
	v7 =	vcombine.low v10, v7;
	v2 =	vsel vm6, s9, v2;
	v6 =	vsel vm6, s10, v6  }
0x18a: {  	s13 =	sshra.s32 s24, $0x1;
	v8 =	vcombine.low v8, v9;
	v2 =	vsel vm7, s11, v2;
	v6 =	vsel vm10, s12, v6  }
0x18b: {  	v2 =	vperm.xlane v2, v1;
	v7 =	vperm.xlane v7, v0;
	v6 =	vsel vm7, s13, v6  }
0x18c: {  	v5 =	vnsel vm9, $0x186A00, v5;
	v8 =	vperm.xlane v8, v0;
	v6 =	vperm.xlane v6, v1  }
0x18d: {  	v5 =	vadd.s32 v63, v5  }
0x18e: {  	s14 =	rddreg [dreg:$0x8];
	[tilespmem:s8+$0x5140] =	vst v5;
	v2 =	vsel vm8, v2, v7;
	v5 =	vsel vm8, v6, v8  }
0x18f: {  	v4 =	vshll.u32 v4, $0x3;
	v6 =	vld [tilespmem:s14+$0x640];
	v2 =	vadd.s32 v2, v5  }
0x190: {  	v2 =	vadd.s32 v4, v2  }
0x191: {  	v2 =	vmul.u32 $0x186A0, v2  }
0x192: {  	vm9 =	vlt.u32 v3, $0x29  }
0x193: {  	v2 =	vnsel vm9, $0x186A00, v2  }
0x194: {  	s15 =	rddreg [dreg:$0x1];
	s17 =	simm.s32 $0x5140;
	v2 =	vadd.s32 v6, v2  }
0x195: {  	s16 =	simm.s32 $0x640;
	s18 =	simm.s32 $0x6A40;
	s19 =	simm.s32 $0x0;
	[tilespmem:s14+$0x5140] =	vst v2  }
0x196: {  	[tilespmem:s18], [sflag:$0x3] =	stream.indirect.gather [hbm4b:s15+s16], $0x1, s17, s16, $0xb8;
	[tilespmem:$0x7D00] =	vst v63  }
0x197: {  	s15 =	sand.u32 $0x7F0, s19  }
0x198: {  	v2 =	vld [tilespmem:s15+$0x2580];
	_ =	sdelay $0x4  }
0x199: {  	v2 =	vadd.s32 $0xFFFFFFD8, v2  }
0x19a: {  	(v2sf) =	vpush v2, $0x4  }
0x19b: {  	(v2sf) =	vpush v2, $0x3;
	_ =	sdelay $0x1  }
0x19c: {  	(v2sf) =	vpush v2, $0x2;
	_ =	sdelay $0x1  }
0x19d: {  	(v2sf) =	vpush v2, $0x1;
	_ =	sdelay $0x1  }
0x19e: {  	(v2sf) =	vpush v2, $0x0  }
0x19f: {  	(v2sf) =	vpush v2, $0x7;
	_ =	sdelay $0x1  }
0x1a0: {  	(v2sf) =	vpush v2, $0xF;
	_ =	sdelay $0x1  }
0x1a1: {  	(v2sf) =	vpush v2, $0xC;
	_ =	sdelay $0x2  }
0x1a2: {  	(v2sf) =	vpush v2, $0x8;
	s20 =	spop (v2sf)  }
0x1a3: {  	s21 =	spop (v2sf);
	s0 =	smulhi.u32 $0x66666667, s20  }
0x1a4: {  	(v2sf) =	vpush v2, $0x5;
	s1 =	sshra.s32 s20, $0x1F;
	s5 =	smulhi.u32 $0x66666667, s21  }
0x1a5: {  	s4 =	spop (v2sf);
	s1 =	smul.u32 $0x66666667, s1  }
0x1a6: {  	s2 =	sshra.s32 s21, $0x1F;
	s8 =	smulhi.u32 $0x66666667, s4  }
0x1a7: {  	s6 =	spop (v2sf);
	s2 =	smul.u32 $0x66666667, s2  }
0x1a8: {  	(v2sf) =	vpush v2, $0xD;
	s3 =	sshra.s32 s4, $0x1F;
	s13 =	smulhi.u32 $0x66666667, s6  }
0x1a9: {  	(v2sf) =	vpush v2, $0x9;
	s9 =	spop (v2sf);
	s3 =	smul.u32 $0x66666667, s3;
	s4 =	sshra.s32 s6, $0x1F  }
0x1aa: {  	(v2sf) =	vpush v2, $0xA;
	s23 =	spop (v2sf);
	s30 =	smul.u32 $0x66666667, s4  }
0x1ab: {  	s17 =	simm.s32 $0x10;
	[dreg:$0x3] =	wrdreg s15;
	(v2sf) =	vpush v2, $0xE;
	s19 =	smulhi.u32 $0x66666667, s23  }
0x1ac: {  	s24 =	spop (v2sf);
	s20 =	sadd.s32 s3, s8;
	s8 =	smulhi.u32 $0x66666667, s9  }
0x1ad: {  	s2 =	sadd.s32 s2, s5;
	s10 =	sshra.s32 s23, $0x1F;
	s25 =	smulhi.u32 $0x66666667, s24  }
0x1ae: {  	s23 =	sshra.s32 s9, $0x1F;
	s26 =	spop (v2sf);
	s10 =	smul.u32 $0x66666667, s10  }
0x1af: {  	s11 =	sshra.s32 s24, $0x1F;
	s9 =	sadd.s32 s30, s13;
	s23 =	smul.u32 $0x66666667, s23  }
0x1b0: {  	s13 =	sshra.s32 s20, $0x1;
	s5 =	sshra.s32 s20, $0x1F;
	s18 =	smulhi.u32 $0x66666667, s26  }
0x1b1: {  	s16 =	spop (v2sf);
	s21 =	sshra.s32 s26, $0x1F;
	s3 =	smul.u32 $0x66666667, s11  }
0x1b2: {  	(v2sf) =	vpush v2, $0xB;
	s30 =	sshra.s32 s9, $0x1;
	s26 =	sshra.s32 s9, $0x1F;
	[dreg:$0x1f] =	wrdreg s13  }
0x1b3: {  	[dreg:$0x16] =	wrdreg s25;
	s22 =	spop (v2sf);
	s6 =	sshra.s32 s16, $0x1F  }
0x1b4: {  	(v2sf) =	vpush v2, $0x6;
	s14 =	smulhi.u32 $0x66666667, s16;
	[smem:$0x7DF] =	sst s26;
	s16 =	sadd.s32 s10, s19  }
0x1b5: {  	s10 =	sand.u32 $0x7F0, s17;
	s13 =	sadd.s32 s23, s8;
	s4 =	smulhi.u32 $0x66666667, s22  }
0x1b6: {  	s17 =	sshrl.u32 s20, $0x1F;
	s7 =	sshra.s32 s22, $0x1F;
	s6 =	smul.u32 $0x66666667, s6  }
0x1b7: {  	s19 =	sshrl.u32 s2, $0x1F;
	s7 =	smul.u32 $0x66666667, s7;
	s22 =	spop (v2sf)  }
0x1b8: {  	s14 =	sadd.s32 s6, s14;
	s6 =	sshrl.u32 s9, $0x1F;
	s24 =	spop (v2sf)  }
0x1b9: {  	s25 =	spop (v2sf);
	s9 =	sshra.s32 s24, $0x1F;
	s24 =	smulhi.u32 $0x66666667, s24  }
0x1ba: {  	v3 =	vld [tilespmem:s10+$0x2580];
	s11 =	smulhi.u32 $0x66666667, s25;
	s12 =	sshra.s32 s25, $0x1F;
	s25 =	spop (v2sf)  }
0x1bb: {  	v5 =	vld [tilespmem:s15+$0x3E80];
	s15 =	sshra.s32 s16, $0x1;
	[dreg:$0x9] =	wrdreg s10;
	s8 =	smulhi.u32 $0x66666667, s25  }
0x1bc: {  	[dreg:$0xe] =	wrdreg s15;
	s20 =	sshrl.u32 s14, $0x1F;
	s26 =	smul.u32 $0x66666667, s12  }
0x1bd: {  	s28 =	sshra.s32 s25, $0x1F;
	s12 =	sadd.s32 s1, s0;
	s1 =	sshra.s32 s2, $0x1F  }
0x1be: {  	s2 =	sshra.s32 s2, $0x1;
	s25 =	smulhi.u32 $0x66666667, s22;
	s0 =	sshra.s32 s13, $0x1  }
0x1bf: {  	v3 =	vadd.s32 $0xFFFFFFD8, v3;
	[dreg:$0x13] =	wrdreg s1;
	s1 =	sshrl.u32 s13, $0x1F;
	s23 =	sadd.s32 s26, s11  }
0x1c0: {  	(v2sf) =	vpush v3, $0x4;
	s26 =	smul.u32 $0x66666667, s9;
	s9 =	sshra.s32 s13, $0x1F;
	s13 =	sshra.s32 s16, $0x1F  }
0x1c1: {  	(v2sf) =	vpush v3, $0x3;
	s11 =	sshra.s32 s22, $0x1F;
	s22 =	sshra.s32 s14, $0x1;
	s14 =	spop (v2sf);
	v4 =	vmov s13  }
0x1c2: {  	vm9 =	vcmask $0x704;
	(v2sf) =	vpush v3, $0x2;
	[dreg:$0x1c] =	wrdreg s2;
	s2 =	simm.s32 $0x20;
	s29 =	sshra.s32 s14, $0x1F;
	v4 =	vsel vm3, s0, v4  }
0x1c3: {  	v6 =	vmov s1;
	(v2sf) =	vpush v3, $0x1;
	s1 =	spop (v2sf);
	s13 =	sshra.s32 s12, $0x1F;
	s31 =	sshra.s32 s23, $0x1;
	v4 =	vsel vm9, s9, v4  }
0x1c4: {  	(v2sf) =	vpush v3, $0x0;
	v6 =	vnsel vm3, $0x0, v6;
	s0 =	smulhi.u32 $0x66666667, s14;
	s14 =	sshra.s32 s12, $0x1;
	s9 =	sshra.s32 s1, $0x1F;
	v7 =	vsel vm0, s30, v4;
	v4 =	vld [tilespmem:s10+$0x3E80]  }
.LBB2_6:
0x1c5: {  	s30 =	sshrl.u32 s23, $0x1F;
	s7 =	sadd.s32 s7, s4;
	s10 =	rddreg [dreg:$0x3]  }
0x1c6: {  	s23 =	smov.u32 s2;
	s4 =	smul.u32 $0x66666667, s21;
	s21 =	rddreg [dreg:$0x16]  }
0x1c7: {  	s29 =	smul.u32 $0x66666667, s29;
	[smem:$0x7CA] =	sst s23  }
0x1c8: {  	s9 =	smul.u32 $0x66666667, s9;
	s23 =	smov.u32 s10;
	s10 =	rddreg [dreg:$0x9]  }
0x1c9: {  	(v2sf) =	vpush v3, $0x7;
	s11 =	smul.u32 $0x66666667, s11;
	v6 =	vsel vm0, s6, v6;
	s6 =	rddreg [dreg:$0x1f];
	s15 =	smov.u32 s10  }
0x1ca: {  	s12 =	sshrl.u32 s12, $0x1F;
	s1 =	smulhi.u32 $0x66666667, s1;
	[dreg:$0x3] =	wrdreg s15  }
0x1cb: {  	p0 =	sne.s32 s2, $0x630;
	(v2sf) =	vpush v3, $0xF;
	s3 =	sadd.s32 s3, s21;
	s15 =	sld [smem:$0x7DF]  }
0x1cc: {  	s24 =	sadd.s32 s26, s24;
	s21 =	sadd.s32 s29, s0;
	s29 =	sshrl.u32 s7, $0x1F  }
0x1cd: {  	(v2sf) =	vpush v3, $0xC;
	s4 =	sadd.s32 s4, s18;
	s0 =	sshrl.u32 s16, $0x1F;
	s1 =	sadd.s32 s9, s1  }
0x1ce: {  	s9 =	sshra.s32 s7, $0x1;
	s16 =	sshra.s32 s3, $0x1;
	(v2sf) =	vpush v3, $0x8;
	s10 =	sshrl.u32 s4, $0x1F;
	v7 =	vsel vm11, s15, v7  }
0x1cf: {  	s4 =	sshra.s32 s4, $0x1;
	s26 =	sshra.s32 s21, $0x1;
	(v2sf) =	vpush v3, $0x5;
	s15 =	sshrl.u32 s21, $0x1F;
	v7 =	vsel vm1, s6, v7  }
0x1d0: {  	v6 =	vsel vm1, s17, v6;
	s21 =	rddreg [dreg:$0x1c];
	v7 =	vsel vm12, s5, v7;
	s5 =	sadd.s32 s11, s25;
	s25 =	smul.u32 $0x66666667, s28  }
0x1d1: {  	v9 =	vmov s22;
	v11 =	vmov s20;
	v6 =	vsel vm2, s19, v6;
	s6 =	sshrl.u32 s24, $0x1F;
	s11 =	sshrl.u32 s3, $0x1F;
	s18 =	sshrl.u32 s5, $0x1F  }
0x1d2: {  	v6 =	vsel vm4, s12, v6;
	v8 =	vmov s10;
	v10 =	vmov s4;
	s8 =	sadd.s32 s25, s8;
	s25 =	sshra.s32 s24, $0x1;
	s10 =	spop (v2sf)  }
0x1d3: {  	(v2sf) =	vpush v3, $0xD;
	v11 =	vsel vm0, s6, v11;
	s5 =	sshra.s32 s5, $0x1;
	v9 =	vsel vm0, s25, v9;
	s12 =	smulhi.u32 $0x66666667, s10;
	s22 =	spop (v2sf)  }
0x1d4: {  	v11 =	vsel vm1, s30, v11;
	v10 =	vsel vm0, s5, v10;
	s24 =	sshrl.u32 s8, $0x1F;
	v9 =	vsel vm1, s31, v9;
	s5 =	smulhi.u32 $0x66666667, s22;
	s25 =	spop (v2sf)  }
0x1d5: {  	v7 =	vsel vm2, s21, v7;
	v11 =	vsel vm2, s15, v11;
	v9 =	vsel vm2, s26, v9;
	s26 =	rddreg [dreg:$0x13];
	s15 =	smulhi.u32 $0x66666667, s25;
	s30 =	sshra.s32 s25, $0x1F  }
0x1d6: {  	(v2sf) =	vpush v3, $0x9;
	v8 =	vsel vm0, s18, v8;
	s8 =	sshra.s32 s8, $0x1;
	s19 =	spop (v2sf);
	v7 =	vsel vm13, s26, v7;
	s18 =	smul.u32 $0x66666667, s30  }
0x1d7: {  	s20 =	smulhi.u32 $0x66666667, s19;
	s3 =	spop (v2sf);
	v7 =	vsel vm4, s14, v7;
	s14 =	sshra.s32 s19, $0x1F  }
0x1d8: {  	v10 =	vsel vm1, s8, v10;
	s21 =	spop (v2sf);
	s8 =	sadd.s32 s18, s15;
	s18 =	smul.u32 $0x66666667, s14  }
0x1d9: {  	s17 =	sshrl.u32 s1, $0x1F;
	s26 =	sshra.s32 s10, $0x1F;
	s19 =	smulhi.u32 $0x66666667, s21  }
0x1da: {  	s4 =	sshra.s32 s1, $0x1F;
	v8 =	vsel vm1, s24, v8;
	v7 =	vsel vm14, s13, v7;
	s24 =	spop (v2sf);
	s13 =	smul.u32 $0x66666667, s26  }
0x1db: {  	(v2sf) =	vpush v3, $0xA;
	v8 =	vsel vm2, s11, v8;
	s11 =	sshra.s32 s1, $0x1;
	s1 =	sshra.s32 s3, $0x1F;
	s25 =	smulhi.u32 $0x66666667, s24  }
0x1dc: {  	s7 =	sshra.s32 s7, $0x1F;
	v6 =	vsel vm5, s29, v6;
	s1 =	smul.u32 $0x66666667, s1;
	v7 =	vsel vm5, s9, v7;
	s15 =	spop (v2sf)  }
0x1dd: {  	v6 =	vsel vm6, s17, v6;
	s17 =	sshra.s32 s22, $0x1F;
	v10 =	vsel vm2, s16, v10;
	v7 =	vsel vm15, s7, v7;
	s16 =	spop (v2sf);
	[dreg:$0x16] =	wrdreg s25  }
0x1de: {  	v6 =	vsel vm7, s0, v6;
	v8 =	vcombine.low v11, v8;
	s30 =	sadd.s32 $0x10, s2;
	v7 =	vsel vm6, s11, v7;
	s25 =	spop (v2sf);
	s29 =	smulhi.u32 $0x66666667, s16  }
0x1df: {  	v6 =	vperm.xlane v6, v1;
	v9 =	vcombine.low v9, v10;
	s0 =	sshra.s32 s24, $0x1F;
	s24 =	rddreg [dreg:$0xe];
	v7 =	vsel vm10, s4, v7;
	s4 =	smulhi.u32 $0x66666667, s25  }
0x1e0: {  	(v2sf) =	vpush v3, $0xE;
	v8 =	vperm.xlane v8, v0;
	s9 =	sshra.s32 s16, $0x1F;
	s26 =	sshra.s32 s25, $0x1F;
	s25 =	smul.u32 $0x66666667, s17;
	v7 =	vsel vm7, s24, v7  }
0x1e1: {  	s22 =	sshra.s32 s21, $0x1F;
	v9 =	vperm.xlane v9, v0;
	s12 =	sadd.s32 s13, s12;
	s9 =	smul.u32 $0x66666667, s9;
	v7 =	vperm.xlane v7, v1  }
0x1e2: {  	(v2sf) =	vpush v3, $0xB;
	s21 =	sshra.s32 s15, $0x1F;
	s13 =	sshra.s32 s12, $0x1F;
	s7 =	smul.u32 $0x66666667, s26  }
0x1e3: {  	v6 =	vsel vm8, v6, v8;
	s14 =	spop (v2sf);
	(v2sf) =	vpush v3, $0x6;
	s24 =	sadd.s32 s18, s20;
	s18 =	smulhi.u32 $0x66666667, s15;
	v7 =	vsel vm8, v7, v9  }
0x1e4: {  	v8 =	vld [tilespmem:s23+$0xC80];
	s17 =	sshrl.u32 s8, $0x1F;
	s11 =	sshra.s32 s14, $0x1F;
	s15 =	smul.u32 $0x66666667, s22;
	v6 =	vadd.s32 v6, v7;
	v7 =	vshll.u32 v5, $0x3  }
0x1e5: {  	s26 =	sshra.s32 s8, $0x1;
	s20 =	spop (v2sf);
	s2 =	sshra.s32 s24, $0x1;
	v5 =	vmov v4;
	v4 =	vadd.s32 v7, v6  }
0x1e6: {  	s10 =	sshra.s32 s24, $0x1F;
	[dreg:$0x1f] =	wrdreg s26;
	s22 =	sshra.s32 s20, $0x1F;
	v4 =	vmul.u32 $0x186A0, v4  }
0x1e7: {  	vm9 =	vlt.u32 v2, $0x29;
	s6 =	sshrl.u32 s24, $0x1F;
	s16 =	sadd.s32 s15, s19;
	s15 =	sld [smem:$0x7CA]  }
0x1e8: {  	v2 =	vmov v3;
	s25 =	sadd.s32 s25, s5;
	[smem:$0x7DF] =	sst s10;
	s10 =	smulhi.u32 $0x66666667, s3;
	v3 =	vnsel vm9, $0x186A00, v4  }
0x1e9: {  	s5 =	sshra.s32 s8, $0x1F;
	s9 =	sadd.s32 s9, s29;
	s3 =	smul.u32 $0x66666667, s0;
	v3 =	vadd.s32 v8, v3  }
0x1ea: {  	s19 =	sshra.s32 s16, $0x1F;
	s26 =	spop (v2sf);
	s15 =	sand.u32 $0x7F0, s15;
	[tilespmem:s23+$0x5780] =	vst v3  }
0x1eb: {  	s31 =	sshra.s32 s26, $0x1F;
	s0 =	smulhi.u32 $0x66666667, s26;
	s26 =	sshra.s32 s16, $0x1;
	v3 =	vld [tilespmem:s15+$0x2580]  }
0x1ec: {  	s10 =	sadd.s32 s1, s10;
	v6 =	vmov s19;
	s19 =	sshra.s32 s25, $0x1F;
	[dreg:$0xe] =	wrdreg s26  }
0x1ed: {  	s1 =	sshra.s32 s10, $0x1;
	s24 =	sshrl.u32 s10, $0x1F;
	[dreg:$0x9] =	wrdreg s15  }
0x1ee: {  	s10 =	sshra.s32 s10, $0x1F;
	[dreg:$0x13] =	wrdreg s19;
	s26 =	smul.u32 $0x66666667, s22  }
0x1ef: {  	v7 =	vmov s24;
	s24 =	smulhi.u32 $0x66666667, s20;
	s23 =	sshra.s32 s25, $0x1;
	v4 =	vld [tilespmem:s15+$0x3E80];
	s15 =	spop (v2sf)  }
0x1f0: {  	s19 =	sshrl.u32 s25, $0x1F;
	[dreg:$0x1c] =	wrdreg s23;
	s8 =	smulhi.u32 $0x66666667, s15;
	v3 =	vadd.s32 $0xFFFFFFD8, v3  }
.Ltmp2:
0x1f1: {  	s28 =	sshra.s32 s15, $0x1F;
	s15 =	spop (v2sf);
	(v2sf) =	vpush v3, $0x4;
	(pc) =	sbr.rel @p0 .LBB2_6-.Ltmp2, $4  }
0x1f2: {  	v6 =	vsel vm3, s1, v6;
	s22 =	sshra.s32 s9, $0x1;
	vm9 =	vcmask $0x704;
	s23 =	smul.u32 $0x66666667, s31;
	s1 =	spop (v2sf);
	(v2sf) =	vpush v3, $0x3  }
0x1f3: {  	s20 =	sshrl.u32 s9, $0x1F;
	v8 =	vsel vm9, s10, v6;
	s25 =	smulhi.u32 $0x66666667, s14;
	s14 =	sshra.s32 s12, $0x1;
	(v2sf) =	vpush v3, $0x2  }
0x1f4: {  	v6 =	vnsel vm3, $0x0, v7;
	v7 =	vsel vm0, s2, v8;
	s2 =	smov.u32 s30;
	s29 =	sshra.s32 s15, $0x1F;
	s23 =	sadd.s32 s23, s0;
	(v2sf) =	vpush v3, $0x1  }
0x1f5: {  	s0 =	smulhi.u32 $0x66666667, s15;
	s31 =	sshra.s32 s23, $0x1;
	s9 =	sshra.s32 s1, $0x1F;
	(v2sf) =	vpush v3, $0x0  }
0x1f6: {  	_ =	sdelay $0x2  }
0x1f7: {  	(v2sf) =	vpush v3, $0x7  }
0x1f8: {  	s2 =	smul.u32 $0x66666667, s29  }
0x1f9: {  	s10 =	smul.u32 $0x66666667, s21  }
0x1fa: {  	s15 =	smul.u32 $0x66666667, s9  }
0x1fb: {  	s9 =	smul.u32 $0x66666667, s11  }
0x1fc: {  	s1 =	smulhi.u32 $0x66666667, s1;
	v6 =	vsel vm0, s6, v6;
	s6 =	sshrl.u32 s16, $0x1F;
	s16 =	rddreg [dreg:$0x1f]  }
0x1fd: {  	s21 =	smul.u32 $0x66666667, s28;
	v11 =	vmov s20;
	s20 =	rddreg [dreg:$0x13]  }
0x1fe: {  	[smem:$0x7B7] =	sst s15;
	s15 =	spop (v2sf)  }
0x1ff: {  	[smem:$0x7B6] =	sst s2;
	s29 =	spop (v2sf)  }
0x200: {  	[smem:$0x7B8] =	sst s1;
	s30 =	spop (v2sf)  }
0x201: {  	(v2sf) =	vpush v3, $0xF;
	[smem:$0x7B9] =	sst s21;
	s11 =	smulhi.u32 $0x66666667, s30;
	s1 =	sshra.s32 s30, $0x1F  }
0x202: {  	(v2sf) =	vpush v3, $0xC;
	s21 =	spop (v2sf);
	s1 =	smul.u32 $0x66666667, s1  }
0x203: {  	s30 =	smulhi.u32 $0x66666667, s21;
	[smem:$0x7BA] =	sst s11  }
0x204: {  	(v2sf) =	vpush v3, $0x8;
	s2 =	spop (v2sf);
	[smem:$0x7BB] =	sst s1  }
0x205: {  	(v2sf) =	vpush v3, $0x5;
	s11 =	smulhi.u32 $0x66666667, s15;
	[smem:$0x7BC] =	sst s30;
	s30 =	sadd.s32 s7, s4  }
0x206: {  	(v2sf) =	vpush v3, $0xD;
	s1 =	sshra.s32 s21, $0x1F;
	s21 =	rddreg [dreg:$0x16];
	s4 =	spop (v2sf)  }
0x207: {  	s7 =	sld [smem:$0x7B6];
	s1 =	smul.u32 $0x66666667, s1  }
0x208: {  	(v2sf) =	vpush v3, $0x9;
	[smem:$0x7C0] =	sst s11;
	s11 =	smulhi.u32 $0x66666667, s4  }
0x209: {  	[smem:$0x7BD] =	sst s1  }
0x20a: {  	s1 =	sadd.s32 s3, s21;
	[smem:$0x7BE] =	sst s11  }
0x20b: {  	(v2sf) =	vpush v3, $0xA;
	s15 =	sshra.s32 s15, $0x1F;
	s0 =	sadd.s32 s7, s0;
	[smem:$0x7C3] =	sst s1  }
0x20c: {  	s3 =	smul.u32 $0x66666667, s15;
	s15 =	sshra.s32 s4, $0x1F;
	[smem:$0x7C2] =	sst s0  }
0x20d: {  	s28 =	smul.u32 $0x66666667, s15;
	s15 =	sadd.s32 s26, s24;
	s26 =	sld [smem:$0x7B8]  }
0x20e: {  	s21 =	smulhi.u32 $0x66666667, s29;
	s24 =	sld [smem:$0x7BB]  }
0x20f: {  	s11 =	smulhi.u32 $0x66666667, s2;
	[smem:$0x7C1] =	sst s3  }
0x210: {  	[smem:$0x7BF] =	sst s21;
	s3 =	spop (v2sf)  }
0x211: {  	s4 =	sshra.s32 s29, $0x1F;
	[smem:$0x7C4] =	sst s3;
	s7 =	spop (v2sf)  }
0x212: {  	s2 =	sshra.s32 s2, $0x1F;
	s21 =	smul.u32 $0x66666667, s4;
	[smem:$0x7C5] =	sst s7  }
0x213: {  	s18 =	sadd.s32 s10, s18;
	s10 =	spop (v2sf);
	s7 =	smul.u32 $0x66666667, s2  }
0x214: {  	s25 =	sadd.s32 s9, s25;
	s1 =	spop (v2sf);
	s9 =	smulhi.u32 $0x66666667, s10  }
0x215: {  	s3 =	sshra.s32 s10, $0x1F;
	s10 =	sld [smem:$0x7B7];
	s29 =	spop (v2sf)  }
0x216: {  	s2 =	smulhi.u32 $0x66666667, s1;
	[smem:$0x7C6] =	sst s29  }
0x217: {  	s1 =	sshra.s32 s1, $0x1F;
	s4 =	spop (v2sf);
	s29 =	sld [smem:$0x7B9]  }
0x218: {  	s7 =	sadd.s32 s7, s11;
	s11 =	smul.u32 $0x66666667, s1;
	[smem:$0x7C7] =	sst s4  }
0x219: {  	s10 =	sadd.s32 s10, s26;
	s4 =	smul.u32 $0x66666667, s3;
	s3 =	sld [smem:$0x7BA]  }
0x21a: {  	s0 =	spop (v2sf);
	s26 =	sld [smem:$0x7BC];
	s2 =	sadd.s32 s11, s2  }
0x21b: {  	s11 =	sshra.s32 s18, $0x1;
	s8 =	sadd.s32 s29, s8;
	s29 =	sld [smem:$0x7BD]  }
0x21c: {  	s24 =	sadd.s32 s24, s3;
	s3 =	smulhi.u32 $0x66666667, s0;
	s0 =	sshra.s32 s0, $0x1F  }
0x21d: {  	s9 =	sadd.s32 s4, s9;
	s4 =	sld [smem:$0x7C0];
	s0 =	smul.u32 $0x66666667, s0  }
0x21e: {  	v10 =	vmov s11;
	s11 =	sld [smem:$0x7C3]  }
0x21f: {  	s26 =	sadd.s32 s29, s26;
	s29 =	sld [smem:$0x7BE];
	s0 =	sadd.s32 s0, s3  }
0x220: {  	[smem:$0x7C9] =	sst s0  }
0x221: {  	v6 =	vsel vm1, s17, v6;
	s17 =	sshrl.u32 s25, $0x1F;
	s0 =	sshrl.u32 s23, $0x1F;
	s23 =	sld [smem:$0x7DF]  }
0x222: {  	v6 =	vsel vm2, s19, v6;
	s19 =	sshra.s32 s30, $0x1F;
	(v2sf) =	vpush v3, $0xE;
	s28 =	sadd.s32 s28, s29;
	s29 =	sld [smem:$0x7C1]  }
0x223: {  	v9 =	vmov s22;
	s22 =	sshrl.u32 s8, $0x1F;
	s8 =	sshra.s32 s8, $0x1;
	[smem:$0x7C8] =	sst s28  }
0x224: {  	s3 =	sshrl.u32 s12, $0x1F;
	s12 =	sshra.s32 s30, $0x1;
	s28 =	sld [smem:$0x7BF];
	v7 =	vsel vm11, s23, v7  }
0x225: {  	v6 =	vsel vm4, s3, v6;
	s3 =	sshrl.u32 s11, $0x1F;
	v7 =	vsel vm1, s16, v7;
	s16 =	sshra.s32 s25, $0x1;
	s25 =	sld [smem:$0x7C2]  }
0x226: {  	s23 =	sshra.s32 s15, $0x1;
	s1 =	sadd.s32 s29, s4;
	s4 =	rddreg [dreg:$0x1c]  }
0x227: {  	s11 =	sshra.s32 s11, $0x1;
	s29 =	sshrl.u32 s18, $0x1F;
	v9 =	vsel vm0, s23, v9;
	s23 =	sld [smem:$0x7C4]  }
0x228: {  	(v2sf) =	vpush v3, $0xB;
	s21 =	sadd.s32 s21, s28;
	v7 =	vsel vm12, s5, v7;
	v8 =	vmov s29;
	s5 =	sshrl.u32 s15, $0x1F;
	s29 =	sshrl.u32 s30, $0x1F  }
0x229: {  	s30 =	sshra.s32 s10, $0x1;
	v6 =	vsel vm5, s29, v6;
	s29 =	sld [smem:$0x7C5];
	s15 =	sshrl.u32 s25, $0x1F  }
0x22a: {  	v8 =	vsel vm0, s17, v8;
	v7 =	vsel vm2, s4, v7;
	v11 =	vsel vm0, s5, v11;
	s18 =	sshra.s32 s25, $0x1;
	s4 =	smulhi.u32 $0x66666667, s23;
	s17 =	sshra.s32 s23, $0x1F  }
0x22b: {  	(v2sf) =	vpush v3, $0x6;
	v7 =	vsel vm13, s20, v7;
	s25 =	sshrl.u32 s10, $0x1F;
	v11 =	vsel vm1, s0, v11;
	s23 =	sld [smem:$0x7C6];
	s0 =	sshra.s32 s24, $0x1F  }
0x22c: {  	v9 =	vsel vm1, s31, v9;
	v8 =	vsel vm1, s22, v8;
	s22 =	sld [smem:$0x7C7];
	v7 =	vsel vm4, s14, v7;
	s14 =	sshra.s32 s10, $0x1F;
	s5 =	smul.u32 $0x66666667, s17  }
0x22d: {  	v9 =	vsel vm2, s18, v9;
	s17 =	sshrl.u32 s26, $0x1F;
	v8 =	vsel vm2, s3, v8;
	s18 =	sshra.s32 s24, $0x1;
	s3 =	sshra.s32 s21, $0x1F  }
0x22e: {  	s20 =	smulhi.u32 $0x66666667, s29;
	v7 =	vsel vm14, s13, v7;
	s10 =	sshra.s32 s29, $0x1F;
	s13 =	sshra.s32 s26, $0x1F  }
0x22f: {  	v10 =	vsel vm0, s16, v10;
	v11 =	vsel vm2, s15, v11;
	s29 =	sshra.s32 s7, $0x1;
	v7 =	vsel vm5, s12, v7;
	s12 =	sshra.s32 s26, $0x1;
	s15 =	sshra.s32 s23, $0x1F  }
0x230: {  	v10 =	vsel vm1, s8, v10;
	s8 =	sshra.s32 s22, $0x1F;
	s26 =	rddreg [dreg:$0xe];
	s10 =	smul.u32 $0x66666667, s10  }
0x231: {  	vm9 =	vcmask $0x704;
	v6 =	vsel vm6, s25, v6;
	v7 =	vsel vm15, s19, v7;
	s19 =	sshrl.u32 s24, $0x1F;
	s24 =	spop (v2sf);
	s8 =	smul.u32 $0x66666667, s8  }
0x232: {  	v10 =	vsel vm2, s11, v10;
	v6 =	vsel vm7, s6, v6;
	v8 =	vcombine.low v11, v8;
	s6 =	smulhi.u32 $0x66666667, s24;
	s11 =	sshra.s32 s24, $0x1F;
	s24 =	sld [smem:$0x7C8]  }
0x233: {  	v9 =	vcombine.low v9, v10;
	v6 =	vperm.xlane v6, v1;
	s4 =	sadd.s32 s5, s4;
	s15 =	smul.u32 $0x66666667, s15;
	v7 =	vsel vm6, s30, v7;
	s30 =	sshrl.u32 s7, $0x1F  }
0x234: {  	v8 =	vperm.xlane v8, v0;
	s7 =	sshra.s32 s7, $0x1F;
	s10 =	sadd.s32 s10, s20;
	v7 =	vsel vm10, s14, v7;
	v12 =	vmov s30;
	s30 =	smulhi.u32 $0x66666667, s22  }
0x235: {  	v5 =	vshll.u32 v5, $0x3;
	v9 =	vperm.xlane v9, v0;
	s20 =	sshra.s32 s9, $0x1;
	s11 =	smul.u32 $0x66666667, s11;
	v7 =	vsel vm7, s26, v7;
	s25 =	sshra.s32 s24, $0x1F  }
0x236: {  	s9 =	sshrl.u32 s9, $0x1F;
	s14 =	sshrl.u32 s21, $0x1F;
	v6 =	vsel vm8, v6, v8;
	s22 =	sshra.s32 s1, $0x1;
	v7 =	vperm.xlane v7, v1;
	v58 =	vmov s25  }
0x237: {  	v62 =	vmov s9;
	s26 =	spop (v2sf);
	v60 =	vnsel vm3, $0x0, v12;
	s8 =	sadd.s32 s8, s30;
	s11 =	sadd.s32 s11, s6;
	v11 =	vsel vm3, s29, v58  }
0x238: {  	s25 =	smulhi.u32 $0x66666667, s23;
	s30 =	sshra.s32 s8, $0x1;
	s8 =	sshrl.u32 s8, $0x1F;
	v7 =	vsel vm8, v7, v9;
	v59 =	vsel vm9, s7, v11;
	v11 =	vsel vm0, s17, v60  }
0x239: {  	s29 =	sshra.s32 s26, $0x1F;
	s7 =	sshra.s32 s21, $0x1;
	v6 =	vadd.s32 v6, v7;
	s21 =	sshrl.u32 s10, $0x1F;
	vm9 =	vlt.u32 v2, $0x29;
	v10 =	vsel vm0, s12, v59  }
0x23a: {  	s15 =	sadd.s32 s15, s25;
	s25 =	sshrl.u32 s1, $0x1F;
	s10 =	sshra.s32 s10, $0x1;
	v5 =	vadd.s32 v5, v6;
	v6 =	vsel vm1, s19, v11;
	v7 =	vmov s21  }
0x23b: {  	s12 =	spop (v2sf);
	s21 =	sld [smem:$0x7C9];
	v61 =	vmov s10;
	s17 =	sshra.s32 s15, $0x1;
	v10 =	vsel vm11, s13, v10;
	v5 =	vmul.u32 $0x186A0, v5  }
0x23c: {  	s1 =	sshra.s32 s1, $0x1F;
	s10 =	rddreg [dreg:$0x3];
	s13 =	smul.u32 $0x66666667, s29;
	v2 =	vsel vm2, s14, v6;
	v9 =	vsel vm0, s17, v61;
	v8 =	vsel vm1, s18, v10  }
0x23d: {  	s23 =	sshra.s32 s12, $0x1F;
	s18 =	smulhi.u32 $0x66666667, s26;
	s26 =	sshrl.u32 s15, $0x1F;
	v2 =	vsel vm4, s25, v2;
	v10 =	vsel vm0, s8, v62;
	v6 =	vsel vm12, s0, v8  }
0x23e: {  	s29 =	sshrl.u32 s2, $0x1F;
	s5 =	smul.u32 $0x66666667, s23;
	s23 =	sshrl.u32 s11, $0x1F;
	v7 =	vsel vm0, s26, v7;
	v8 =	vmov s20;
	v6 =	vsel vm2, s7, v6  }
0x23f: {  	s16 =	sshrl.u32 s21, $0x1F;
	v2 =	vsel vm5, s29, v2;
	s20 =	smulhi.u32 $0x66666667, s12;
	s26 =	sshrl.u32 s4, $0x1F;
	v8 =	vsel vm0, s30, v8;
	v6 =	vsel vm13, s3, v6  }
0x240: {  	s29 =	sshra.s32 s21, $0x1;
	s0 =	sshra.s32 s11, $0x1;
	s4 =	sshra.s32 s4, $0x1;
	v10 =	vsel vm1, s16, v10;
	v7 =	vsel vm1, s23, v7;
	v6 =	vsel vm4, s22, v6  }
0x241: {  	s19 =	sadd.s32 s13, s18;
	s30 =	sshra.s32 s2, $0x1;
	s2 =	sshra.s32 s2, $0x1F;
	v9 =	vsel vm1, s0, v9;
	v7 =	vsel vm2, s26, v7;
	v6 =	vsel vm14, s1, v6  }
0x242: {  	s25 =	sshrl.u32 s19, $0x1F;
	s5 =	sadd.s32 s5, s20;
	v8 =	vsel vm1, s29, v8;
	s8 =	sshra.s32 s19, $0x1;
	v9 =	vsel vm2, s4, v9;
	v6 =	vsel vm5, s30, v6  }
0x243: {  	v63 =	vld [tilespmem:s10+$0xC80];
	v10 =	vsel vm2, s25, v10;
	s11 =	sshrl.u32 s5, $0x1F;
	v8 =	vsel vm2, s8, v8;
	s12 =	sshra.s32 s5, $0x1;
	v6 =	vsel vm15, s2, v6  }
0x244: {  	s13 =	sshrl.u32 s24, $0x1F;
	s14 =	sshra.s32 s5, $0x1F;
	v7 =	vcombine.low v10, v7;
	v2 =	vsel vm6, s11, v2;
	v6 =	vsel vm6, s12, v6  }
0x245: {  	s15 =	sshra.s32 s24, $0x1;
	v8 =	vcombine.low v8, v9;
	v2 =	vsel vm7, s13, v2;
	v6 =	vsel vm10, s14, v6  }
0x246: {  	v2 =	vperm.xlane v2, v1;
	v7 =	vperm.xlane v7, v0;
	v6 =	vsel vm7, s15, v6  }
0x247: {  	v5 =	vnsel vm9, $0x186A00, v5;
	v8 =	vperm.xlane v8, v0;
	v6 =	vperm.xlane v6, v1  }
0x248: {  	v5 =	vadd.s32 v63, v5  }
0x249: {  	s16 =	rddreg [dreg:$0x9];
	[tilespmem:s10+$0x5780] =	vst v5;
	v2 =	vsel vm8, v2, v7;
	v5 =	vsel vm8, v6, v8  }
0x24a: {  	v4 =	vshll.u32 v4, $0x3;
	v6 =	vld [tilespmem:s16+$0xC80];
	v2 =	vadd.s32 v2, v5  }
0x24b: {  	v2 =	vadd.s32 v4, v2  }
0x24c: {  	v2 =	vmul.u32 $0x186A0, v2  }
0x24d: {  	vm9 =	vlt.u32 v3, $0x29  }
0x24e: {  	v2 =	vnsel vm9, $0x186A00, v2  }
0x24f: {  	s17 =	rddreg [dreg:$0x1];
	s18 =	simm.s32 $0x640;
	v2 =	vadd.s32 v6, v2  }
0x250: {  	s19 =	simm.s32 $0x5780;
	s20 =	simm.s32 $0x7080;
	s29 =	simm.s32 $0x0;
	[tilespmem:s16+$0x5780] =	vst v2  }
0x251: {  	[tilespmem:s20], [sflag:$0x4] =	stream.indirect.gather [hbm4b:s17+s18], $0x1, s19, s18, $0xb8;
	[tilespmem:$0x7D00] =	vst v63  }
0x252: {  	v2 =	vld [tilespmem:s29+$0x2BC0];
	_ =	sdelay $0x4  }
0x253: {  	v2 =	vadd.s32 $0xFFFFFFD8, v2  }
0x254: {  	(v2sf) =	vpush v2, $0x4  }
0x255: {  	(v2sf) =	vpush v2, $0x3;
	_ =	sdelay $0x1  }
0x256: {  	(v2sf) =	vpush v2, $0x2;
	_ =	sdelay $0x1  }
0x257: {  	(v2sf) =	vpush v2, $0x1;
	_ =	sdelay $0x1  }
0x258: {  	(v2sf) =	vpush v2, $0x0  }
0x259: {  	(v2sf) =	vpush v2, $0x7;
	_ =	sdelay $0x1  }
0x25a: {  	(v2sf) =	vpush v2, $0xF;
	_ =	sdelay $0x1  }
0x25b: {  	(v2sf) =	vpush v2, $0xC  }
0x25c: {  	(v2sf) =	vpush v2, $0x8;
	_ =	sdelay $0x1  }
0x25d: {  	(v2sf) =	vpush v2, $0x5;
	s21 =	spop (v2sf)  }
0x25e: {  	s26 =	spop (v2sf);
	s0 =	smulhi.u32 $0x66666667, s21  }
0x25f: {  	s1 =	sshra.s32 s21, $0x1F;
	s4 =	smulhi.u32 $0x66666667, s26  }
0x260: {  	s5 =	spop (v2sf);
	s1 =	smul.u32 $0x66666667, s1  }
0x261: {  	s2 =	sshra.s32 s26, $0x1F;
	s7 =	smulhi.u32 $0x66666667, s5  }
0x262: {  	(v2sf) =	vpush v2, $0xD;
	s6 =	spop (v2sf);
	s2 =	smul.u32 $0x66666667, s2  }
0x263: {  	(v2sf) =	vpush v2, $0x9;
	s3 =	sshra.s32 s5, $0x1F;
	s20 =	smulhi.u32 $0x66666667, s6  }
0x264: {  	(v2sf) =	vpush v2, $0xA;
	s8 =	spop (v2sf);
	s3 =	smul.u32 $0x66666667, s3;
	s5 =	sshra.s32 s6, $0x1F  }
0x265: {  	(v2sf) =	vpush v2, $0xE;
	s22 =	spop (v2sf);
	s5 =	smul.u32 $0x66666667, s5  }
0x266: {  	s15 =	smulhi.u32 $0x66666667, s22  }
0x267: {  	s23 =	spop (v2sf);
	s3 =	sadd.s32 s3, s7;
	s7 =	smulhi.u32 $0x66666667, s8  }
0x268: {  	s17 =	sshra.s32 s8, $0x1F;
	s9 =	sshra.s32 s22, $0x1F;
	s24 =	smulhi.u32 $0x66666667, s23  }
0x269: {  	(v2sf) =	vpush v2, $0xB;
	s25 =	spop (v2sf);
	s9 =	smul.u32 $0x66666667, s9;
	s10 =	sshra.s32 s23, $0x1F  }
0x26a: {  	(v2sf) =	vpush v2, $0x6;
	s5 =	sadd.s32 s5, s20;
	s30 =	spop (v2sf);
	s18 =	smulhi.u32 $0x66666667, s25  }
0x26b: {  	s21 =	sshra.s32 s25, $0x1F;
	s23 =	smul.u32 $0x66666667, s10;
	[dreg:$0x10] =	wrdreg s24  }
0x26c: {  	s10 =	simm.s32 $0x10;
	s16 =	spop (v2sf);
	s12 =	smulhi.u32 $0x66666667, s30  }
0x26d: {  	s26 =	sshra.s32 s30, $0x1F;
	s30 =	sshra.s32 s5, $0x1;
	s19 =	smulhi.u32 $0x66666667, s16  }
0x26e: {  	s24 =	sshra.s32 s3, $0x1;
	s13 =	sshra.s32 s16, $0x1F;
	s16 =	smul.u32 $0x66666667, s17  }
0x26f: {  	[dreg:$0x19] =	wrdreg s24;
	s17 =	sadd.s32 s9, s15;
	s6 =	smul.u32 $0x66666667, s26  }
0x270: {  	s9 =	sadd.s32 s2, s4;
	s15 =	sshrl.u32 s3, $0x1F;
	s2 =	sadd.s32 s1, s0  }
0x271: {  	s14 =	smul.u32 $0x66666667, s13;
	s13 =	sshra.s32 s5, $0x1F;
	s22 =	spop (v2sf)  }
0x272: {  	s5 =	sshrl.u32 s5, $0x1F;
	s16 =	sadd.s32 s16, s7;
	s25 =	spop (v2sf)  }
0x273: {  	s6 =	sadd.s32 s6, s12;
	s12 =	smulhi.u32 $0x66666667, s22;
	s20 =	spop (v2sf)  }
0x274: {  	s0 =	sshra.s32 s16, $0x1;
	s11 =	smulhi.u32 $0x66666667, s20;
	s26 =	spop (v2sf)  }
0x275: {  	s1 =	sshrl.u32 s16, $0x1F;
	s8 =	sshra.s32 s20, $0x1F;
	s7 =	smulhi.u32 $0x66666667, s26  }
0x276: {  	v3 =	vld [tilespmem:s10+$0x2BC0];
	s20 =	sshra.s32 s3, $0x1F;
	s3 =	simm.s32 $0x80;
	s4 =	smul.u32 $0x66666667, s8  }
0x277: {  	s28 =	sshra.s32 s26, $0x1F;
	s8 =	sshra.s32 s9, $0x1F;
	s26 =	sshra.s32 s22, $0x1F  }
0x278: {  	s22 =	spop (v2sf);
	[dreg:$0xf] =	wrdreg s8;
	s8 =	sshra.s32 s6, $0x1  }
0x279: {  	v6 =	vmov s1;
	s6 =	sshrl.u32 s6, $0x1F;
	s31 =	smulhi.u32 $0x66666667, s22;
	s1 =	spop (v2sf)  }
0x27a: {  	s24 =	sadd.s32 s4, s11;
	s4 =	sshrl.u32 s9, $0x1F;
	s9 =	sshra.s32 s9, $0x1  }
0x27b: {  	v3 =	vadd.s32 $0xFFFFFFD8, v3;
	[dreg:$0x14] =	wrdreg s9;
	s9 =	sshra.s32 s16, $0x1F;
	s16 =	sshra.s32 s17, $0x1F  }
0x27c: {  	(v2sf) =	vpush v3, $0x4;
	s11 =	sshra.s32 s25, $0x1F;
	s25 =	smulhi.u32 $0x66666667, s25;
	v4 =	vmov s16;
	s16 =	simm.s32 $0x0  }
0x27d: {  	vm9 =	vcmask $0x704;
	(v2sf) =	vpush v3, $0x3;
	v4 =	vsel vm3, s0, v4;
	s0 =	sshra.s32 s22, $0x1F;
	[dreg:$0x6] =	wrdreg s16;
	s22 =	sshra.s32 s17, $0x1  }
0x27e: {  	(v2sf) =	vpush v3, $0x2;
	s11 =	smul.u32 $0x66666667, s11;
	v5 =	vsel vm9, s9, v4;
	v4 =	vld [tilespmem:s29+$0x44C0];
	[dreg:$0xb] =	wrdreg s22;
	s29 =	sshra.s32 s2, $0x1F  }
0x27f: {  	(v2sf) =	vpush v3, $0x1;
	s16 =	sshra.s32 s2, $0x1;
	[dreg:$0x15] =	wrdreg s29;
	v7 =	vsel vm0, s30, v5;
	s30 =	simm.s32 $0x10  }
0x280: {  	v6 =	vnsel vm3, $0x0, v6;
	(v2sf) =	vpush v3, $0x0;
	s9 =	sshra.s32 s1, $0x1F;
	s22 =	sshra.s32 s24, $0x1;
	v5 =	vld [tilespmem:s10+$0x44C0];
	[dreg:$0xa] =	wrdreg s30  }
.LBB2_8:
0x281: {  	s30 =	sshrl.u32 s24, $0x1F;
	s0 =	smul.u32 $0x66666667, s0;
	s14 =	sadd.s32 s14, s19  }
0x282: {  	s29 =	smov.u32 s3;
	s10 =	rddreg [dreg:$0x6];
	s9 =	smul.u32 $0x66666667, s9  }
0x283: {  	s19 =	rddreg [dreg:$0xa];
	s2 =	sshrl.u32 s2, $0x1F;
	v7 =	vsel vm11, s13, v7;
	s13 =	smul.u32 $0x66666667, s26  }
0x284: {  	s26 =	rddreg [dreg:$0x19];
	p0 =	sne.s32 s3, $0x18C0;
	s24 =	smov.u32 s10  }
0x285: {  	v6 =	vsel vm0, s5, v6;
	s10 =	smov.u32 s19;
	s19 =	smul.u32 $0x66666667, s21;
	s21 =	rddreg [dreg:$0x10]  }
0x286: {  	v7 =	vsel vm1, s26, v7;
	s26 =	smulhi.u32 $0x66666667, s1;
	s1 =	sshrl.u32 s17, $0x1F;
	v6 =	vsel vm1, s15, v6;
	s15 =	rddreg [dreg:$0x14]  }
0x287: {  	s25 =	sadd.s32 s11, s25;
	s29 =	sshra.s32 s29, $0x2;
	[dreg:$0x6] =	wrdreg s10  }
0x288: {  	(v2sf) =	vpush v3, $0x7;
	s21 =	sadd.s32 s23, s21;
	s0 =	sadd.s32 s0, s31;
	s23 =	sshrl.u32 s14, $0x1F  }
0x289: {  	s12 =	sadd.s32 s13, s12;
	s13 =	smul.u32 $0x66666667, s28;
	[dreg:$0xa] =	wrdreg s29  }
0x28a: {  	(v2sf) =	vpush v3, $0xF;
	s18 =	sadd.s32 s19, s18;
	s19 =	sshrl.u32 s0, $0x1F;
	s17 =	sshrl.u32 s21, $0x1F  }
0x28b: {  	v7 =	vsel vm12, s20, v7;
	s20 =	sshrl.u32 s12, $0x1F;
	s26 =	sadd.s32 s9, s26;
	s11 =	sshra.s32 s12, $0x1  }
0x28c: {  	v9 =	vmov s8;
	(v2sf) =	vpush v3, $0xC;
	s12 =	sshrl.u32 s25, $0x1F;
	s0 =	sshra.s32 s0, $0x1;
	s10 =	sshrl.u32 s18, $0x1F  }
0x28d: {  	v11 =	vmov s6;
	(v2sf) =	vpush v3, $0x8;
	s7 =	sadd.s32 s13, s7;
	s8 =	sshra.s32 s26, $0x1F;
	v8 =	vmov s10;
	s10 =	sshra.s32 s25, $0x1  }
0x28e: {  	v6 =	vsel vm2, s4, v6;
	(v2sf) =	vpush v3, $0x5;
	s13 =	sshrl.u32 s26, $0x1F;
	s25 =	sshra.s32 s26, $0x1;
	s26 =	rddreg [dreg:$0x15];
	v9 =	vsel vm0, s10, v9  }
0x28f: {  	v7 =	vsel vm2, s15, v7;
	s9 =	sshra.s32 s18, $0x1;
	(v2sf) =	vpush v3, $0xD;
	v9 =	vsel vm1, s22, v9;
	s22 =	rddreg [dreg:$0xf];
	s10 =	spop (v2sf)  }
0x290: {  	v6 =	vsel vm4, s2, v6;
	v11 =	vsel vm0, s12, v11;
	s12 =	sshra.s32 s21, $0x1;
	v7 =	vsel vm13, s22, v7;
	s2 =	smulhi.u32 $0x66666667, s10;
	s18 =	spop (v2sf)  }
0x291: {  	v8 =	vsel vm0, s20, v8;
	s20 =	sshrl.u32 s7, $0x1F;
	v9 =	vsel vm2, s0, v9;
	v7 =	vsel vm4, s16, v7;
	s0 =	smulhi.u32 $0x66666667, s18;
	s21 =	spop (v2sf)  }
0x292: {  	v10 =	vmov s9;
	s9 =	sshra.s32 s14, $0x1;
	v8 =	vsel vm1, s20, v8;
	v7 =	vsel vm14, s26, v7;
	s20 =	sshra.s32 s18, $0x1F;
	s15 =	smulhi.u32 $0x66666667, s21  }
0x293: {  	s6 =	sshra.s32 s14, $0x1F;
	v6 =	vsel vm5, s23, v6;
	v7 =	vsel vm5, s9, v7;
	s23 =	spop (v2sf);
	s20 =	smul.u32 $0x66666667, s20  }
0x294: {  	v6 =	vsel vm6, s13, v6;
	s13 =	rddreg [dreg:$0xb];
	v8 =	vsel vm2, s17, v8;
	v7 =	vsel vm15, s6, v7;
	s14 =	sshra.s32 s21, $0x1F;
	s17 =	smulhi.u32 $0x66666667, s23  }
0x295: {  	v11 =	vsel vm1, s30, v11;
	(v2sf) =	vpush v3, $0x9;
	s7 =	sshra.s32 s7, $0x1;
	s10 =	sshra.s32 s10, $0x1F;
	v7 =	vsel vm6, s25, v7;
	s30 =	smul.u32 $0x66666667, s14  }
0x296: {  	(v2sf) =	vpush v3, $0xA;
	s5 =	spop (v2sf);
	s23 =	sshra.s32 s23, $0x1F;
	v7 =	vsel vm10, s8, v7;
	s8 =	smul.u32 $0x66666667, s10  }
0x297: {  	v10 =	vsel vm0, s11, v10;
	s4 =	sshra.s32 s5, $0x1F;
	s14 =	spop (v2sf);
	s26 =	smul.u32 $0x66666667, s23  }
0x298: {  	v11 =	vsel vm2, s19, v11;
	v10 =	vsel vm1, s7, v10;
	s11 =	smulhi.u32 $0x66666667, s5;
	s0 =	sadd.s32 s20, s0;
	s22 =	sshra.s32 s14, $0x1F  }
0x299: {  	v6 =	vsel vm7, s1, v6;
	v10 =	vsel vm2, s12, v10;
	v8 =	vcombine.low v11, v8;
	s19 =	spop (v2sf);
	s1 =	sadd.s32 s30, s15;
	s15 =	smulhi.u32 $0x66666667, s14  }
0x29a: {  	v9 =	vcombine.low v9, v10;
	s30 =	sadd.s32 $0x40, s3;
	s2 =	sadd.s32 s8, s2;
	s21 =	smulhi.u32 $0x66666667, s19  }
0x29b: {  	v6 =	vperm.xlane v6, v1;
	v8 =	vperm.xlane v8, v0;
	v7 =	vsel vm7, s13, v7;
	s25 =	spop (v2sf);
	s16 =	sadd.s32 s26, s17;
	s23 =	smul.u32 $0x66666667, s22  }
0x29c: {  	v9 =	vperm.xlane v9, v0;
	(v2sf) =	vpush v3, $0xE;
	v7 =	vperm.xlane v7, v1;
	s17 =	sshra.s32 s1, $0x1;
	s12 =	spop (v2sf);
	s3 =	sshra.s32 s16, $0x1  }
0x29d: {  	(v2sf) =	vpush v3, $0xB;
	s13 =	sshra.s32 s16, $0x1F;
	[dreg:$0x19] =	wrdreg s17;
	s14 =	spop (v2sf)  }
0x29e: {  	v6 =	vsel vm8, v6, v8;
	v7 =	vsel vm8, v7, v9;
	s5 =	sshrl.u32 s16, $0x1F;
	s16 =	smul.u32 $0x66666667, s4;
	s9 =	spop (v2sf);
	(v2sf) =	vpush v3, $0x6  }
0x29f: {  	v8 =	vld [tilespmem:s24+$0x12C0];
	s7 =	sshra.s32 s19, $0x1F;
	[dreg:$0x10] =	wrdreg s21;
	v6 =	vadd.s32 v6, v7;
	v7 =	vshll.u32 v4, $0x3;
	s31 =	smulhi.u32 $0x66666667, s12  }
0x2a0: {  	s6 =	sshra.s32 s12, $0x1F;
	v4 =	vmov v5;
	s17 =	sadd.s32 s23, s15;
	s23 =	smul.u32 $0x66666667, s7;
	v5 =	vadd.s32 v7, v6  }
0x2a1: {  	s21 =	sshra.s32 s25, $0x1F;
	s19 =	smulhi.u32 $0x66666667, s14;
	s18 =	sshra.s32 s14, $0x1F;
	v5 =	vmul.u32 $0x186A0, v5  }
0x2a2: {  	vm9 =	vlt.u32 v2, $0x29;
	s12 =	sshra.s32 s17, $0x1F;
	s20 =	sshra.s32 s17, $0x1;
	s14 =	smul.u32 $0x66666667, s18  }
0x2a3: {  	v2 =	vmov v3;
	s18 =	smulhi.u32 $0x66666667, s25;
	[dreg:$0xb] =	wrdreg s20;
	v6 =	vmov s12;
	s12 =	sshra.s32 s0, $0x1F;
	v3 =	vnsel vm9, $0x186A00, v5  }
0x2a4: {  	s15 =	sshrl.u32 s1, $0x1F;
	s22 =	spop (v2sf);
	[dreg:$0xf] =	wrdreg s12;
	v3 =	vadd.s32 v8, v3  }
0x2a5: {  	s26 =	sshra.s32 s9, $0x1F;
	s12 =	smulhi.u32 $0x66666667, s9;
	s28 =	spop (v2sf);
	[tilespmem:s24+$0x5DC0] =	vst v3  }
0x2a6: {  	s20 =	sshra.s32 s1, $0x1F;
	s25 =	sshra.s32 s22, $0x1F;
	v3 =	vld [tilespmem:s29+$0x2BC0];
	s24 =	smulhi.u32 $0x66666667, s28  }
0x2a7: {  	s10 =	sshra.s32 s28, $0x1F;
	v5 =	vld [tilespmem:s29+$0x44C0];
	s29 =	smul.u32 $0x66666667, s6;
	s6 =	sadd.s32 s16, s11  }
0x2a8: {  	s11 =	smul.u32 $0x66666667, s25;
	s16 =	sshra.s32 s6, $0x1;
	s25 =	sshrl.u32 s6, $0x1F  }
0x2a9: {  	s10 =	smul.u32 $0x66666667, s10;
	s31 =	sadd.s32 s29, s31;
	s29 =	sshra.s32 s2, $0x1F  }
0x2aa: {  	v6 =	vsel vm3, s16, v6;
	v7 =	vmov s25;
	s16 =	sshra.s32 s2, $0x1;
	s25 =	smulhi.u32 $0x66666667, s22;
	[dreg:$0x15] =	wrdreg s29  }
0x2ab: {  	s8 =	sshra.s32 s31, $0x1;
	s29 =	sshra.s32 s6, $0x1F;
	s4 =	spop (v2sf);
	v3 =	vadd.s32 $0xFFFFFFD8, v3  }
.Ltmp3:
0x2ac: {  	s6 =	sshrl.u32 s31, $0x1F;
	s9 =	spop (v2sf);
	(v2sf) =	vpush v3, $0x4;
	(pc) =	sbr.rel @p0 .LBB2_8-.Ltmp3, $4  }
0x2ad: {  	vm9 =	vcmask $0x704;
	s24 =	sadd.s32 s10, s24;
	s7 =	smulhi.u32 $0x66666667, s4;
	s1 =	spop (v2sf);
	(v2sf) =	vpush v3, $0x3  }
0x2ae: {  	v8 =	vsel vm9, s29, v6;
	s28 =	sshra.s32 s4, $0x1F;
	s4 =	sshrl.u32 s0, $0x1F;
	s0 =	sshra.s32 s0, $0x1;
	(v2sf) =	vpush v3, $0x2  }
0x2af: {  	v6 =	vnsel vm3, $0x0, v7;
	s22 =	sshra.s32 s24, $0x1;
	v7 =	vsel vm0, s3, v8;
	s3 =	smov.u32 s30;
	[dreg:$0x14] =	wrdreg s0;
	(v2sf) =	vpush v3, $0x1  }
0x2b0: {  	s0 =	sshra.s32 s9, $0x1F;
	s31 =	smulhi.u32 $0x66666667, s9;
	s9 =	sshra.s32 s1, $0x1F;
	(v2sf) =	vpush v3, $0x0  }
0x2b1: {  	_ =	sdelay $0x1  }
0x2b2: {  	(v2sf) =	vpush v3, $0x7;
	_ =	sdelay $0x1  }
0x2b3: {  	(v2sf) =	vpush v3, $0xF  }
0x2b4: {  	s30 =	smul.u32 $0x66666667, s0  }
0x2b5: {  	s10 =	smul.u32 $0x66666667, s21  }
0x2b6: {  	s21 =	smul.u32 $0x66666667, s9;
	(v2sf) =	vpush v3, $0xC  }
0x2b7: {  	s29 =	smul.u32 $0x66666667, s26;
	[smem:$0x79E] =	sst s10;
	(v2sf) =	vpush v3, $0x8  }
0x2b8: {  	s1 =	smulhi.u32 $0x66666667, s1;
	[smem:$0x7A0] =	sst s21;
	(v2sf) =	vpush v3, $0x5  }
0x2b9: {  	[smem:$0x79F] =	sst s29;
	s3 =	spop (v2sf)  }
0x2ba: {  	[smem:$0x7A1] =	sst s1;
	s29 =	spop (v2sf)  }
0x2bb: {  	s10 =	smul.u32 $0x66666667, s28;
	s30 =	sadd.s32 s30, s31;
	s9 =	spop (v2sf)  }
0x2bc: {  	[smem:$0x7AE] =	sst s30;
	s21 =	smulhi.u32 $0x66666667, s9;
	s26 =	sshra.s32 s9, $0x1F  }
0x2bd: {  	s28 =	spop (v2sf);
	s1 =	smul.u32 $0x66666667, s26  }
0x2be: {  	[smem:$0x7A2] =	sst s10;
	s10 =	smulhi.u32 $0x66666667, s28  }
0x2bf: {  	s9 =	spop (v2sf);
	s26 =	smulhi.u32 $0x66666667, s3  }
0x2c0: {  	(v2sf) =	vpush v3, $0xD;
	s3 =	sshra.s32 s3, $0x1F;
	[smem:$0x7A3] =	sst s21;
	s0 =	spop (v2sf)  }
0x2c1: {  	(v2sf) =	vpush v3, $0x9;
	s3 =	smul.u32 $0x66666667, s3;
	[smem:$0x7A4] =	sst s1  }
0x2c2: {  	(v2sf) =	vpush v3, $0xA;
	s28 =	sshra.s32 s28, $0x1F;
	[smem:$0x7A5] =	sst s10;
	s21 =	spop (v2sf)  }
0x2c3: {  	(v2sf) =	vpush v3, $0xE;
	[smem:$0x7AA] =	sst s26;
	s10 =	smul.u32 $0x66666667, s28  }
0x2c4: {  	s28 =	smulhi.u32 $0x66666667, s0;
	[smem:$0x7B0] =	sst s21  }
0x2c5: {  	s26 =	spop (v2sf);
	[smem:$0x7AB] =	sst s3  }
0x2c6: {  	[smem:$0x7A6] =	sst s10;
	s1 =	spop (v2sf)  }
0x2c7: {  	[smem:$0x7A7] =	sst s28;
	s21 =	spop (v2sf)  }
0x2c8: {  	s28 =	rddreg [dreg:$0x10];
	s10 =	smulhi.u32 $0x66666667, s21;
	s3 =	sshra.s32 s21, $0x1F  }
0x2c9: {  	s21 =	sadd.s32 s14, s19;
	s14 =	sshra.s32 s29, $0x1F;
	s3 =	smul.u32 $0x66666667, s3  }
0x2ca: {  	s31 =	smul.u32 $0x66666667, s14;
	s14 =	sld [smem:$0x79E]  }
0x2cb: {  	s0 =	sshra.s32 s0, $0x1F;
	[smem:$0x7AC] =	sst s10;
	s10 =	smulhi.u32 $0x66666667, s29  }
0x2cc: {  	s29 =	smul.u32 $0x66666667, s0;
	s0 =	sadd.s32 s23, s28;
	s23 =	sld [smem:$0x79F]  }
0x2cd: {  	[smem:$0x7AD] =	sst s3  }
0x2ce: {  	s30 =	smulhi.u32 $0x66666667, s9;
	[smem:$0x7AF] =	sst s0  }
0x2cf: {  	[smem:$0x7A8] =	sst s10;
	s10 =	spop (v2sf)  }
0x2d0: {  	[smem:$0x7A9] =	sst s31;
	s3 =	sshra.s32 s9, $0x1F;
	s19 =	spop (v2sf)  }
0x2d1: {  	s31 =	sadd.s32 s14, s18;
	s14 =	sld [smem:$0x7A0];
	s0 =	spop (v2sf)  }
0x2d2: {  	(v2sf) =	vpush v3, $0xB;
	s12 =	sadd.s32 s23, s12;
	s23 =	sld [smem:$0x7A1];
	s9 =	spop (v2sf)  }
0x2d3: {  	s28 =	smul.u32 $0x66666667, s3;
	s3 =	sshra.s32 s0, $0x1F;
	[smem:$0x7B5] =	sst s9  }
0x2d4: {  	s9 =	smul.u32 $0x66666667, s3;
	s3 =	sld [smem:$0x7A2]  }
0x2d5: {  	_ = 	snop  }
0x2d6: {  	s11 =	sadd.s32 s11, s25;
	s25 =	sld [smem:$0x7A4]  }
0x2d7: {  	s14 =	sadd.s32 s14, s23;
	s23 =	sadd.s32 s3, s7;
	s7 =	sld [smem:$0x7A3]  }
0x2d8: {  	[smem:$0x7B1] =	sst s10  }
0x2d9: {  	[smem:$0x7B3] =	sst s19;
	s19 =	smulhi.u32 $0x66666667, s1;
	s1 =	sshra.s32 s1, $0x1F  }
0x2da: {  	s10 =	smul.u32 $0x66666667, s1;
	s1 =	sadd.s32 s25, s7;
	s7 =	sld [smem:$0x7A5]  }
0x2db: {  	s25 =	sld [smem:$0x7A6];
	_ =	sdelay $0x2  }
0x2dc: {  	v7 =	vsel vm11, s13, v7;
	v9 =	vmov s8;
	s13 =	sshra.s32 s11, $0x1;
	s7 =	sadd.s32 s25, s7;
	s25 =	sld [smem:$0x7A7]  }
0x2dd: {  	s17 =	sshrl.u32 s17, $0x1F;
	v9 =	vsel vm0, s13, v9  }
0x2de: {  	s11 =	sshrl.u32 s11, $0x1F;
	v9 =	vsel vm1, s22, v9;
	s22 =	sld [smem:$0x7B1];
	s18 =	smulhi.u32 $0x66666667, s0  }
0x2df: {  	s0 =	spop (v2sf);
	s29 =	sadd.s32 s29, s25;
	s25 =	sld [smem:$0x7A9]  }
0x2e0: {  	s3 =	smulhi.u32 $0x66666667, s0;
	s0 =	sshra.s32 s0, $0x1F;
	[smem:$0x7B4] =	sst s29  }
0x2e1: {  	v6 =	vsel vm0, s5, v6;
	s5 =	sshra.s32 s31, $0x1;
	s29 =	smul.u32 $0x66666667, s0;
	s0 =	sld [smem:$0x7A8]  }
0x2e2: {  	[smem:$0x7B2] =	sst s1;
	s1 =	smulhi.u32 $0x66666667, s26;
	s26 =	sshra.s32 s26, $0x1F  }
0x2e3: {  	s30 =	sadd.s32 s28, s30;
	s28 =	smul.u32 $0x66666667, s26;
	s26 =	sld [smem:$0x7AA]  }
0x2e4: {  	s29 =	sadd.s32 s29, s3;
	s0 =	sadd.s32 s25, s0;
	s25 =	sld [smem:$0x7AB]  }
0x2e5: {  	(v2sf) =	vpush v3, $0x6;
	s3 =	sadd.s32 s28, s1;
	s28 =	sshrl.u32 s31, $0x1F;
	s31 =	rddreg [dreg:$0x19]  }
0x2e6: {  	v11 =	vmov s6;
	s6 =	sshra.s32 s14, $0x1F;
	s10 =	sadd.s32 s10, s19;
	v7 =	vsel vm1, s31, v7;
	s31 =	sld [smem:$0x7AF]  }
0x2e7: {  	v6 =	vsel vm1, s15, v6;
	s19 =	sadd.s32 s25, s26;
	s26 =	sadd.s32 s9, s18;
	s18 =	sld [smem:$0x7AC]  }
0x2e8: {  	v6 =	vsel vm2, s4, v6;
	s8 =	sshrl.u32 s23, $0x1F;
	s1 =	sshrl.u32 s2, $0x1F;
	s25 =	sld [smem:$0x7AD]  }
0x2e9: {  	s23 =	sshra.s32 s23, $0x1;
	s13 =	sshra.s32 s7, $0x1;
	v8 =	vmov s28;
	s28 =	sshrl.u32 s21, $0x1F;
	v6 =	vsel vm4, s1, v6  }
0x2ea: {  	v7 =	vsel vm12, s20, v7;
	s20 =	sshra.s32 s21, $0x1;
	s21 =	sshra.s32 s21, $0x1F;
	v6 =	vsel vm5, s28, v6;
	s28 =	rddreg [dreg:$0x14]  }
0x2eb: {  	v10 =	vmov s5;
	s5 =	sshra.s32 s31, $0x1;
	s9 =	sadd.s32 s25, s18;
	s25 =	sld [smem:$0x7AE]  }
0x2ec: {  	v11 =	vsel vm0, s11, v11;
	s18 =	sshrl.u32 s24, $0x1F;
	s24 =	sshrl.u32 s12, $0x1F;
	s12 =	sshra.s32 s12, $0x1  }
0x2ed: {  	v7 =	vsel vm2, s28, v7;
	v8 =	vsel vm0, s24, v8;
	s24 =	sshrl.u32 s31, $0x1F;
	s31 =	sshrl.u32 s14, $0x1F;
	v11 =	vsel vm1, s18, v11;
	s18 =	rddreg [dreg:$0xf]  }
0x2ee: {  	v7 =	vsel vm13, s18, v7;
	v8 =	vsel vm1, s8, v8;
	s4 =	sshrl.u32 s25, $0x1F;
	s15 =	sshra.s32 s25, $0x1;
	s25 =	sld [smem:$0x7B0]  }
0x2ef: {  	v10 =	vsel vm0, s12, v10;
	s12 =	sshra.s32 s14, $0x1;
	s14 =	sshra.s32 s7, $0x1F;
	v7 =	vsel vm4, s16, v7;
	v8 =	vsel vm2, s24, v8;
	s24 =	rddreg [dreg:$0x15]  }
0x2f0: {  	s8 =	smulhi.u32 $0x66666667, s22;
	v11 =	vsel vm2, s4, v11;
	s4 =	sshra.s32 s22, $0x1F;
	v7 =	vsel vm14, s24, v7;
	s24 =	sld [smem:$0x7B3]  }
0x2f1: {  	vm9 =	vcmask $0x704;
	s7 =	sshrl.u32 s7, $0x1F;
	v6 =	vsel vm6, s31, v6;
	v10 =	vsel vm1, s23, v10;
	s22 =	sld [smem:$0x7B4];
	s4 =	smul.u32 $0x66666667, s4  }
0x2f2: {  	v4 =	vshll.u32 v4, $0x3;
	v6 =	vsel vm7, s17, v6;
	v10 =	vsel vm2, s5, v10;
	s2 =	smulhi.u32 $0x66666667, s25;
	s1 =	sshra.s32 s25, $0x1F;
	s25 =	sld [smem:$0x7B2]  }
0x2f3: {  	s23 =	sshrl.u32 s0, $0x1F;
	v9 =	vsel vm2, s15, v9;
	v7 =	vsel vm5, s20, v7;
	v8 =	vcombine.low v11, v8;
	s1 =	smul.u32 $0x66666667, s1;
	s28 =	sshra.s32 s24, $0x1F  }
0x2f4: {  	v6 =	vperm.xlane v6, v1;
	v9 =	vcombine.low v9, v10;
	v7 =	vsel vm15, s21, v7;
	s21 =	spop (v2sf);
	s31 =	sshra.s32 s22, $0x1F;
	s11 =	smul.u32 $0x66666667, s28  }
0x2f5: {  	v7 =	vsel vm6, s12, v7;
	v8 =	vperm.xlane v8, v0;
	v12 =	vmov s31;
	s28 =	sshrl.u32 s30, $0x1F;
	s31 =	sld [smem:$0x7B5];
	s15 =	sshra.s32 s25, $0x1  }
0x2f6: {  	v9 =	vperm.xlane v9, v0;
	v7 =	vsel vm10, s6, v7;
	s16 =	sshrl.u32 s25, $0x1F;
	s17 =	sshra.s32 s25, $0x1F;
	s25 =	sshra.s32 s30, $0x1;
	v13 =	vmov s28  }
0x2f7: {  	s24 =	smulhi.u32 $0x66666667, s24;
	s30 =	sshra.s32 s30, $0x1F;
	s28 =	rddreg [dreg:$0xb];
	v6 =	vsel vm8, v6, v8;
	v12 =	vsel vm3, s25, v12;
	v13 =	vnsel vm3, $0x0, v13  }
0x2f8: {  	s4 =	sadd.s32 s4, s8;
	s25 =	sshra.s32 s10, $0x1;
	v7 =	vsel vm7, s28, v7;
	s20 =	smulhi.u32 $0x66666667, s31;
	v12 =	vsel vm9, s30, v12;
	v13 =	vsel vm0, s7, v13  }
0x2f9: {  	s18 =	sshra.s32 s31, $0x1F;
	s31 =	sadd.s32 s11, s24;
	s11 =	sshrl.u32 s3, $0x1F;
	v15 =	vmov s25;
	v7 =	vperm.xlane v7, v1;
	vm9 =	vlt.u32 v2, $0x29  }
0x2fa: {  	s12 =	sshrl.u32 s19, $0x1F;
	s30 =	sshrl.u32 s10, $0x1F;
	s3 =	sshra.s32 s3, $0x1;
	v12 =	vsel vm0, s13, v12;
	v13 =	vsel vm1, s16, v13;
	v14 =	vmov s11  }
0x2fb: {  	s1 =	sadd.s32 s1, s2;
	s5 =	smul.u32 $0x66666667, s18;
	v16 =	vmov s3;
	v17 =	vmov s30;
	s18 =	sshrl.u32 s31, $0x1F;
	v12 =	vsel vm11, s14, v12  }
0x2fc: {  	s25 =	smulhi.u32 $0x66666667, s21;
	s7 =	sshra.s32 s19, $0x1F;
	v13 =	vsel vm2, s23, v13;
	s14 =	sshrl.u32 s4, $0x1F;
	v17 =	vsel vm0, s18, v17;
	v7 =	vsel vm8, v7, v9  }
0x2fd: {  	s13 =	sshra.s32 s0, $0x1;
	s4 =	sshra.s32 s4, $0x1;
	s23 =	sshrl.u32 s26, $0x1F;
	v12 =	vsel vm1, s15, v12;
	v14 =	vsel vm0, s14, v14;
	v13 =	vsel vm4, s12, v13  }
0x2fe: {  	s16 =	sshrl.u32 s9, $0x1F;
	s0 =	sshra.s32 s0, $0x1F;
	s30 =	sshrl.u32 s29, $0x1F;
	v16 =	vsel vm0, s4, v16;
	v17 =	vsel vm1, s23, v17;
	v12 =	vsel vm12, s17, v12  }
0x2ff: {  	s11 =	sshra.s32 s9, $0x1;
	s5 =	sadd.s32 s5, s20;
	s15 =	sshra.s32 s21, $0x1F;
	v6 =	vadd.s32 v6, v7;
	v13 =	vsel vm5, s16, v13;
	v12 =	vsel vm2, s13, v12  }
0x300: {  	s17 =	sshra.s32 s31, $0x1;
	s28 =	sshrl.u32 s5, $0x1F;
	v53 =	vsel vm2, s30, v17;
	s31 =	sshra.s32 s19, $0x1;
	v4 =	vadd.s32 v4, v6;
	v54 =	vsel vm13, s0, v12  }
0x301: {  	s20 =	sshra.s32 s26, $0x1;
	s24 =	smul.u32 $0x66666667, s15;
	s8 =	sshra.s32 s5, $0x1;
	v15 =	vsel vm0, s17, v15;
	v14 =	vsel vm1, s28, v14;
	v11 =	vsel vm4, s31, v54  }
0x302: {  	s26 =	sshra.s32 s29, $0x1;
	s4 =	sshrl.u32 s1, $0x1F;
	s1 =	sshra.s32 s1, $0x1;
	v56 =	vsel vm1, s8, v16;
	v4 =	vmul.u32 $0x186A0, v4;
	v11 =	vsel vm14, s7, v11  }
0x303: {  	s12 =	sshra.s32 s9, $0x1F;
	s14 =	rddreg [dreg:$0x6];
	v15 =	vsel vm1, s20, v15;
	s3 =	sadd.s32 s24, s25;
	v55 =	vsel vm2, s4, v14;
	v11 =	vsel vm5, s11, v11  }
0x304: {  	v58 =	vld [tilespmem:s14+$0x12C0];
	v14 =	vsel vm2, s1, v56;
	v15 =	vsel vm2, s26, v15;
	s6 =	sshrl.u32 s3, $0x1F;
	s13 =	sshra.s32 s3, $0x1;
	v57 =	vsel vm15, s12, v11  }
0x305: {  	s10 =	sshrl.u32 s22, $0x1F;
	s15 =	sshra.s32 s3, $0x1F;
	v59 =	vcombine.low v53, v55;
	v13 =	vsel vm6, s6, v13;
	v8 =	vsel vm6, s13, v57  }
0x306: {  	s16 =	sshra.s32 s22, $0x1;
	v60 =	vcombine.low v15, v14;
	v13 =	vsel vm7, s10, v13;
	v8 =	vsel vm10, s15, v8  }
0x307: {  	v6 =	vperm.xlane v59, v0;
	v2 =	vperm.xlane v13, v1;
	v8 =	vsel vm7, s16, v8  }
0x308: {  	v4 =	vnsel vm9, $0x186A00, v4;
	v9 =	vperm.xlane v60, v0;
	v8 =	vperm.xlane v8, v1  }
0x309: {  	v4 =	vadd.s32 v58, v4  }
0x30a: {  	s17 =	rddreg [dreg:$0xa];
	[tilespmem:s14+$0x5DC0] =	vst v4;
	v2 =	vsel vm8, v2, v6;
	v61 =	vsel vm8, v8, v9  }
0x30b: {  	v63 =	vshll.u32 v5, $0x3;
	v62 =	vld [tilespmem:s17+$0x12C0];
	v2 =	vadd.s32 v2, v61  }
0x30c: {  	v2 =	vadd.s32 v63, v2  }
0x30d: {  	v2 =	vmul.u32 $0x186A0, v2  }
0x30e: {  	vm9 =	vlt.u32 v3, $0x29  }
0x30f: {  	v2 =	vnsel vm9, $0x186A00, v2  }
0x310: {  	s18 =	rddreg [dreg:$0x1];
	s21 =	simm.s32 $0x76C0;
	v2 =	vadd.s32 v62, v2  }
0x311: {  	s19 =	simm.s32 $0x640;
	s22 =	simm.s32 $0x2;
	s20 =	simm.s32 $0x5DC0;
	[tilespmem:s17+$0x5DC0] =	vst v2  }
0x312: {  	[tilespmem:s21], [sflag:$0x5] =	stream.indirect.gather [hbm4b:s18+s19], $0x1, s20, s19, $0xb8;
	[tilespmem:$0x7D00] =	vst v63  }
0x313: {  	_ =	swait.ge [sflag:s22], $0x640  }
0x314: {  	[sflag:s22] =	ssyncset.done $0x0  }
0x315: {  	s23 =	simm.s32 $0x3;
	[sflag:s22] =	ssyncadd.s32 $0xFFFFF9C0  }
0x316: {  	_ =	swait.ge [sflag:s23], $0x640  }
0x317: {  	[sflag:s23] =	ssyncset.done $0x0  }
0x318: {  	s24 =	simm.s32 $0x4;
	[sflag:s23] =	ssyncadd.s32 $0xFFFFF9C0  }
0x319: {  	_ =	swait.ge [sflag:s24], $0x640  }
0x31a: {  	[sflag:s24] =	ssyncset.done $0x0  }
0x31b: {  	s25 =	simm.s32 $0x5;
	[sflag:s24] =	ssyncadd.s32 $0xFFFFF9C0  }
0x31c: {  	_ =	swait.ge [sflag:s25], $0x640  }
0x31d: {  	s26 =	sld [smem:$0x7FC]  }
0x31e: {  	s29 =	simm.s32 $0x6;
	[sflag:s25] =	ssyncset.done $0x0  }
0x31f: {  	s28 =	simm.s32 $0x6400;
	s3 =	simm.s32 $0x0;
	[sflag:s25] =	ssyncadd.s32 $0xFFFFF9C0  }
0x320: {  	[hbm4b:s26+s3] =	stream.linear.scatter [tilespmem:s28], [sflag:$0x6], $0x1900, $0x38;
	[tilespmem:$0x7D00] =	vst v63  }
0x321: {  	_ =	swait.ge [sflag:s29], $0x1900  }
0x322: {  	s30 =	sld [smem:$0x7F7]  }
0x323: {  	s31 =	sld [smem:$0x7FD];
	_ =	sdelay $0x1  }
0x324: {  	s2 =	sadd.s32 $0x1, s30  }
0x325: {  	p0 =	sne.s32 s2, s31  }
.Ltmp4:
0x326: {  	_ = 	snop;
	(pc) =	sbr.rel @p0 .LBB2_1-.Ltmp4, $3  }
0x327: {  	_ =	sdelay $0x1  }
0x328: {  	[sflag:s29] =	ssyncset.done $0x0  }
0x329: {  	[sflag:s29] =	ssyncadd.s32 $0xFFFFE700  }
0x32a: {  	_ =	sfence.sel $0x180000  }
0x32b: {  	[bflag:$0x0] =	sbarrier.arrive $0xFFFF  }
0x32c: {  	_ =	strace $0x90000047  }
0x32d: {  	s0 =	stileid.u32;
	[bflag:$0x2] =	sbarrier.arrive $0xFFFF  }
0x32e: {  	p0 =	sne.s32 s0, $0x0;
	s0 =	rddreg [dreg:$0x2]  }
0x32f: {  	s0 =	sadd.s32 @!p0 $0x100000, s0  }
0x330: {  	[sflag:s0] =	ssyncadd.tile.s32 @!p0 $0x1;
	_ =	shalt  }
.Lfunc_end2:
_tile_overlayer_lowered:
.L_overlay_start_2:
0x331: {  	(tag) =	ssettag $0x2  }
0x332: {  	s0 =	rddreg [dreg:$0x0];
	s2 =	stileid.u32  }
0x333: {  	s1 =	rddreg [dreg:$0x1];
	p0 =	sne.s32 s2, $0x0  }
0x334: {  	s3 =	rddreg [dreg:$0x2];
	[bflag:$0x3] =	sbarrier.arrive $0xFFFF;
	s2 =	simm.s32 @!p0 $0x1C06  }
0x335: {  	[timem:s3], [sflag:s2] =	dma.local @!p0 [hbm:s0], s1  }
0x336: {  	s0 =	simm.s32 @!p0 $0x6  }
0x337: {  	_ =	swait.ge @!p0 [sflag:s0], s1  }
0x338: {  	s1 =	ssub.s32 @!p0 $0x0, s1;
	[sflag:s0] =	ssyncset.done @!p0 $0x0  }
0x339: {  	[sflag:s0] =	ssyncadd.s32 @!p0 s1  }
0x33a: {  	[bflag:$0x3] =	sbarrier.arrive $0xFFFF  }
0x33b: {  	_ =	shalt  }

</sc_bundles>
